<compile_context>
chip_gen: v7x
topology: tpu7x:2x2x1
jax: 0.10.2.dev20260603
libtpu: 0.0.44.dev20260713+nightly
codegen_flags: <defaults>
</compile_context>

<pallas_src>
import functools

import jax
import jax.numpy as jnp
from jax import lax
from jax.experimental import pallas as pl
from jax.experimental.pallas import tpu as pltpu
from jax.experimental.pallas import tpu_sc as plsc

N = 10000
D_IN = 128
H = 32
DUMMY = N
NP = 10240
BM = 512
NTILES = 32
BLK = 128
NBLK = 82
NBLK_ALL = NBLK + 2
EPT = NBLK * BLK
E_PAD = NTILES * EPT
ROWS_PER_TILE = NP // 16

_PREC = jax.lax.Precision.HIGHEST



def _tc_first_body(x_ref, m_ref, wsd_ref, h_ref, sdt_ref):
    xb = x_ref[...]
    h_ref[...] = jnp.dot(xb, m_ref[...], precision=_PREC,
                         preferred_element_type=jnp.float32)
    sdt_ref[...] = jax.lax.dot_general(
        wsd_ref[...], xb, (((1,), (1,)), ((), ())),
        precision=_PREC, preferred_element_type=jnp.float32)


def _combine(acc_ref, den_ref, b_ref):
    a = acc_ref[...]
    num = a[0] + a[1]
    d = den_ref[...]
    den = jnp.reshape(jnp.sum(d, axis=(0, 1)), (BM, 1))
    return jnp.maximum(num / (den + 1e-16) + b_ref[...], 0.0)


def _tc_mid_body(acc_ref, den_ref, b_ref, m_ref, wsd_ref, h_ref, sdt_ref):
    hprev = _combine(acc_ref, den_ref, b_ref)
    h_ref[...] = jnp.dot(hprev, m_ref[...], precision=_PREC,
                         preferred_element_type=jnp.float32)
    sdt_ref[...] = jax.lax.dot_general(
        wsd_ref[...], hprev, (((1,), (1,)), ((), ())),
        precision=_PREC, preferred_element_type=jnp.float32)


def _tc_final_body(acc_ref, den_ref, b_ref, wf_ref, bf_ref, out_ref):
    hprev = _combine(acc_ref, den_ref, b_ref)
    out_ref[...] = (jnp.dot(hprev, wf_ref[...], precision=_PREC,
                            preferred_element_type=jnp.float32)
                    + bf_ref[...])


_G = NP // BM


def _tc_first(x_pad, m1, wsd1):
    return pl.pallas_call(
        _tc_first_body,
        grid=(_G,),
        in_specs=[
            pl.BlockSpec((BM, D_IN), lambda i: (i, 0)),
            pl.BlockSpec((D_IN, H), lambda i: (0, 0)),
            pl.BlockSpec((8, D_IN), lambda i: (0, 0)),
        ],
        out_specs=[
            pl.BlockSpec((BM, H), lambda i: (i, 0)),
            pl.BlockSpec((8, BM), lambda i: (0, i)),
        ],
        out_shape=[
            jax.ShapeDtypeStruct((NP, H), jnp.float32),
            jax.ShapeDtypeStruct((8, NP), jnp.float32),
        ],
    )(x_pad, m1, wsd1)


def _tc_mid(acc, den, bvec, m2, wsd2):
    return pl.pallas_call(
        _tc_mid_body,
        grid=(_G,),
        in_specs=[
            pl.BlockSpec((2, BM, H), lambda i: (0, i, 0)),
            pl.BlockSpec((2, 16, BM), lambda i: (0, 0, i)),
            pl.BlockSpec((1, H), lambda i: (0, 0)),
            pl.BlockSpec((H, H), lambda i: (0, 0)),
            pl.BlockSpec((8, H), lambda i: (0, 0)),
        ],
        out_specs=[
            pl.BlockSpec((BM, H), lambda i: (i, 0)),
            pl.BlockSpec((8, BM), lambda i: (0, i)),
        ],
        out_shape=[
            jax.ShapeDtypeStruct((NP, H), jnp.float32),
            jax.ShapeDtypeStruct((8, NP), jnp.float32),
        ],
    )(acc, den, bvec, m2, wsd2)


def _tc_final(acc, den, bvec, wf, bf):
    return pl.pallas_call(
        _tc_final_body,
        grid=(_G,),
        in_specs=[
            pl.BlockSpec((2, BM, H), lambda i: (0, i, 0)),
            pl.BlockSpec((2, 16, BM), lambda i: (0, 0, i)),
            pl.BlockSpec((1, H), lambda i: (0, 0)),
            pl.BlockSpec((H, H), lambda i: (0, 0)),
            pl.BlockSpec((1, H), lambda i: (0, 0)),
        ],
        out_specs=pl.BlockSpec((BM, H), lambda i: (i, 0)),
        out_shape=jax.ShapeDtypeStruct((NP, H), jnp.float32),
    )(acc, den, bvec, wf, bf)



def _edge_pass_body(h_hbm, sdt_hbm, src_hbm, dst_hbm, zeros_hbm,
                    acc_out, den_out,
                    src_v, dst_v, s_v, d_v, msg_a, ex_v, den_l,
                    acc_sh, h_sh, gsem_a):
    core = lax.axis_index("c")
    sub = lax.axis_index("s")
    wid = sub * 2 + core
    row0 = sub * ROWS_PER_TILE

    pltpu.sync_copy(src_hbm.at[wid], src_v)
    pltpu.sync_copy(dst_hbm.at[wid], dst_v)
    pltpu.sync_copy(sdt_hbm.at[0], s_v)
    pltpu.sync_copy(sdt_hbm.at[1], d_v)

    @plsc.parallel_loop(0, NP, 16, unroll=8)
    def _(i):
        den_l[pl.ds(i, 16)] = jnp.zeros((16,), jnp.float32)

    pltpu.sync_copy(zeros_hbm, acc_sh.at[pl.ds(row0, ROWS_PER_TILE)])
    pltpu.sync_copy(h_hbm.at[pl.ds(row0, ROWS_PER_TILE)],
                    h_sh.at[pl.ds(row0, ROWS_PER_TILE)])
    plsc.subcore_barrier()

    def alpha(b):
        @plsc.parallel_loop(0, BLK, 16, unroll=8)
        def _(g0):
            src16 = src_v[b, pl.ds(g0, 16)]
            dst16 = dst_v[b, pl.ds(g0, 16)]
            al = plsc.load_gather(s_v, [src16]) + plsc.load_gather(d_v, [dst16])
            al = jnp.maximum(al, 0.2 * al)
            ex_v[pl.ds(16 + g0, 16)] = jnp.exp(al)
        for g in range(BLK // 16):
            dst16 = dst_v[b, pl.ds(g * 16, 16)]
            ex16 = ex_v[pl.ds(16 + g * 16, 16)]
            plsc.addupdate_scatter(den_l, [dst16], ex16)

    def scale(msg_v):
        @plsc.parallel_loop(0, BLK, 1, unroll=16)
        def _(j):
            e = plsc.load_gather(ex_v, [jnp.full((16,), 16, jnp.int32) + j])
            msg_v[j, pl.ds(0, 16)] = msg_v[j, pl.ds(0, 16)] * e
            msg_v[j, pl.ds(16, 16)] = msg_v[j, pl.ds(16, 16)] * e

    def body(b, carry):
        cp = pltpu.async_copy(h_sh.at[src_v.at[b]], msg_a, gsem_a)
        alpha(b)
        cp.wait()
        scale(msg_a)
        pltpu.sync_copy(msg_a, acc_sh.at[dst_v.at[b]], add=True)
        return carry

    lax.fori_loop(0, NBLK, body, 0)

    pltpu.sync_copy(den_l, den_out.at[core, sub])
    plsc.subcore_barrier()
    pltpu.sync_copy(acc_sh.at[pl.ds(row0, ROWS_PER_TILE)],
                    acc_out.at[core, pl.ds(row0, ROWS_PER_TILE)])


_edge_pass = functools.partial(
    pl.kernel,
    out_type=(jax.ShapeDtypeStruct((2, NP, H), jnp.float32),
              jax.ShapeDtypeStruct((2, 16, NP), jnp.float32)),
    mesh=plsc.VectorSubcoreMesh(core_axis_name="c", subcore_axis_name="s"),
    compiler_params=pltpu.CompilerParams(needs_layout_passes=False,
                                         use_tc_tiling_on_sc=False),
    scratch_types=[
        pltpu.VMEM((NBLK_ALL, BLK), jnp.int32),
        pltpu.VMEM((NBLK_ALL, BLK), jnp.int32),
        pltpu.VMEM((NP,), jnp.float32),
        pltpu.VMEM((NP,), jnp.float32),
        pltpu.VMEM((BLK, H), jnp.float32),
        pltpu.VMEM((BLK + 16,), jnp.float32),
        pltpu.VMEM((NP,), jnp.float32),
        pltpu.VMEM_SHARED((NP, H), jnp.float32),
        pltpu.VMEM_SHARED((NP, H), jnp.float32),
        pltpu.SemaphoreType.DMA,
    ],
)(_edge_pass_body)



def _widen(w, a_src, a_dst):
    k = w.shape[0]
    wsd = (jnp.zeros((8, k), jnp.float32)
           .at[0].set(jnp.dot(w, a_src, precision=_PREC))
           .at[1].set(jnp.dot(w, a_dst, precision=_PREC)))
    return wsd


def kernel(x, edge_index, W1, a_src1, a_dst1, b1, W2, a_src2, a_dst2, b2,
           Wf, bf):
    wsd1 = _widen(W1, a_src1, a_dst1)
    wsd2 = _widen(W2, a_src2, a_dst2)
    b1r = b1.reshape(1, H)
    b2r = b2.reshape(1, H)
    bfr = bf.reshape(1, H)

    loops = jnp.arange(N, dtype=jnp.int32)
    npad = E_PAD - (edge_index.shape[1] + N)
    src = jnp.concatenate([edge_index[0].astype(jnp.int32), loops,
                           jnp.zeros((npad,), jnp.int32)])
    dst = jnp.concatenate([edge_index[1].astype(jnp.int32), loops,
                           jnp.full((npad,), DUMMY, jnp.int32)])
    src3 = jnp.concatenate(
        [src.reshape(NTILES, NBLK, BLK),
         jnp.zeros((NTILES, 2, BLK), jnp.int32)], axis=1)
    dst3 = jnp.concatenate(
        [dst.reshape(NTILES, NBLK, BLK),
         jnp.full((NTILES, 2, BLK), DUMMY, jnp.int32)], axis=1)

    x_pad = jnp.zeros((NP, D_IN), jnp.float32).at[:N].set(x)
    zeros_blk = jnp.zeros((ROWS_PER_TILE, H), jnp.float32)

    h1, sdt1 = _tc_first(x_pad, W1, wsd1)
    acc1, den1 = _edge_pass(h1, sdt1, src3, dst3, zeros_blk)
    h2, sdt2 = _tc_mid(acc1, den1, b1r, W2, wsd2)
    acc2, den2 = _edge_pass(h2, sdt2, src3, dst3, zeros_blk)
    out = _tc_final(acc2, den2, b2r, Wf, bfr)
    return out[:N]

# --- scband reference (transcript-rebuilt; emitter-appended) ---
"""Pipeline reference for scband-gat-50337016709813 (READ-ONLY COPY).

The authoritative reference and input builder live on the scoring server;
editing this copy changes nothing except your own understanding.
"""

import jax, jax.numpy as jnp
import numpy as np

N = 10000
E = 320000
D_IN = 128
H1 = 32
H2 = 32
D_OUT = 32


def setup_inputs(seed: int = 0) -> dict:
    key = jax.random.key(seed)
    ks = jax.random.split(key, 16)
    x = jax.random.normal(ks[0], (N, D_IN), dtype=jnp.float32)
    edge_index = jax.random.randint(ks[1], (2, E), 0, N)
    def glorot(k, shape):
        fan_in, fan_out = shape[0], shape[-1]
        limit = np.sqrt(6.0 / (fan_in + fan_out))
        return jax.random.uniform(k, shape, jnp.float32, -limit, limit)
    W1 = glorot(ks[2], (D_IN, H1))
    a_src1 = glorot(ks[3], (1, H1))[0]
    a_dst1 = glorot(ks[4], (1, H1))[0]
    b1 = jnp.zeros((H1,), jnp.float32)
    W2 = glorot(ks[5], (H1, H2))
    a_src2 = glorot(ks[6], (1, H2))[0]
    a_dst2 = glorot(ks[7], (1, H2))[0]
    b2 = jnp.zeros((H2,), jnp.float32)
    Wf = glorot(ks[8], (H2, D_OUT))
    bf = jnp.zeros((D_OUT,), jnp.float32)
    return {"x": x, "edge_index": edge_index, "W1": W1, "a_src1": a_src1, "a_dst1": a_dst1, "b1": b1, "W2": W2, "a_src2": a_src2, "a_dst2": a_dst2, "b2": b2, "Wf": Wf, "bf": bf}


def gat_conv(x, edge_index, W, a_src, a_dst, b):
    # PyG GATConv, heads=1, add_self_loops=True, negative_slope=0.2.
    # Dropout on attention coeffs is identity in eval mode.
    n = x.shape[0]
    loops = jnp.arange(n, dtype=edge_index.dtype)
    src = jnp.concatenate([edge_index[0], loops])
    dst = jnp.concatenate([edge_index[1], loops])
    h = x @ W                                  # [n, out]
    alpha_src_n = h @ a_src                    # [n]
    alpha_dst_n = h @ a_dst                    # [n]
    alpha = alpha_src_n[src] + alpha_dst_n[dst]  # gather per edge
    alpha = jax.nn.leaky_relu(alpha, negative_slope=0.2)
    amax = jax.ops.segment_max(alpha, dst, num_segments=n)
    amax = jax.lax.stop_gradient(amax)
    ex = jnp.exp(alpha - amax[dst])
    denom = jax.ops.segment_sum(ex, dst, num_segments=n)
    coef = ex / (denom[dst] + 1e-16)
    msg = h[src] * coef[:, None]               # gather + scale
    out = jax.ops.segment_sum(msg, dst, num_segments=n)  # scatter-add
    return out + b


def reference(x, edge_index, W1, a_src1, a_dst1, b1, W2, a_src2, a_dst2, b2, Wf, bf):
    h = jax.nn.relu(gat_conv(x, edge_index, W1, a_src1, a_dst1, b1))
    h = jax.nn.relu(gat_conv(h, edge_index, W2, a_src2, a_dst2, b2))
    return h @ Wf + bf

if __name__ == "__main__":
    import jax
    _d = setup_inputs()
    print(jax.jit(kernel)(*tuple(_d.values())))

</pallas_src>

<mosaic_0001>
#map = affine_map<(d0, d1) -> (0, 0)>
#map1 = affine_map<(d0, d1) -> (0, 0, 0)>
module attributes {stable_mosaic.version = 14 : i64} {
  func.func @_edge_pass_body(%arg0: i32, %arg1: i32, %arg2: memref<10240x32xf32, #tpu.memory_space<hbm>>, %arg3: memref<8x10240xf32, #tpu.memory_space<hbm>>, %arg4: memref<32x84x128xi32, #tpu.memory_space<hbm>>, %arg5: memref<32x84x128xi32, #tpu.memory_space<hbm>>, %arg6: memref<640x32xf32, #tpu.memory_space<hbm>>, %arg7: memref<2x10240x32xf32, #tpu.memory_space<hbm>>, %arg8: memref<2x16x10240xf32, #tpu.memory_space<hbm>>, %arg9: memref<84x128xi32, #tpu.memory_space<vmem>>, %arg10: memref<84x128xi32, #tpu.memory_space<vmem>>, %arg11: memref<10240xf32, #tpu.memory_space<vmem>>, %arg12: memref<10240xf32, #tpu.memory_space<vmem>>, %arg13: memref<128x32xf32, #tpu.memory_space<vmem>>, %arg14: memref<144xf32, #tpu.memory_space<vmem>>, %arg15: memref<10240xf32, #tpu.memory_space<vmem>>, %arg16: memref<10240x32xf32, #tpu.memory_space<vmem_shared>>, %arg17: memref<10240x32xf32, #tpu.memory_space<vmem_shared>>, %arg18: memref<!tpu.dma_semaphore, #tpu.memory_space<semaphore_mem>>) attributes {dimension_semantics = [#tpu.dimension_semantics<core_parallel>, #tpu.dimension_semantics<subcore_parallel>], iteration_bounds = array<i64: 2, 16>, scalar_prefetch = 0 : i64, scratch_operands = 10 : i64, tpu.core_type = #tpu.core_type<sc_vector_subcore>, window_params = [{transform_indices = #map}, {transform_indices = #map}, {transform_indices = #map1}, {transform_indices = #map1}, {transform_indices = #map}, {transform_indices = #map1}, {transform_indices = #map1}]} {
    %mul3A = arith.constant 2 : i32
    %mul3A_0 = arith.muli %arg1, %mul3A : i32
    %add3A = arith.addi %mul3A_0, %arg0 : i32
    %mul3A_1 = arith.constant 640 : i32
    %mul3A_2 = arith.muli %arg1, %mul3A_1 : i32
    "tpu.region"() ({
      %run_scoped3A_12 = tpu.sem_alloc : memref<!tpu.dma_semaphore, #tpu.memory_space<semaphore_mem>>
      %dma_start3A = arith.constant 0 : i32
      %dma_start3A_13 = arith.constant 0 : i32
      %dma_start3A_14 = tpu.memref_slice %arg4[%add3A, %dma_start3A, %dma_start3A_13] : memref<32x84x128xi32, #tpu.memory_space<hbm>> -> memref<1x84x128xi32, #tpu.memory_space<hbm>>
      %dma_start3A_15 = tpu.memref_squeeze %dma_start3A_14 : memref<1x84x128xi32, #tpu.memory_space<hbm>> -> memref<84x128xi32, #tpu.memory_space<hbm>>
      %dma_start3A_16 = arith.constant 0 : i32
      %dma_start3A_17 = arith.constant 0 : i32
      %dma_start3A_18 = tpu.memref_slice %arg4[%add3A, %dma_start3A_16, %dma_start3A_17] : memref<32x84x128xi32, #tpu.memory_space<hbm>> -> memref<1x84x128xi32, #tpu.memory_space<hbm>>
      %dma_start3A_19 = tpu.memref_squeeze %dma_start3A_18 : memref<1x84x128xi32, #tpu.memory_space<hbm>> -> memref<84x128xi32, #tpu.memory_space<hbm>>
      tpu.enqueue_dma source(%dma_start3A_19 : memref<84x128xi32, #tpu.memory_space<hbm>>) target(%arg9 : memref<84x128xi32, #tpu.memory_space<vmem>>) target_semaphore(%run_scoped3A_12 : memref<!tpu.dma_semaphore, #tpu.memory_space<semaphore_mem>>)
      %dma_wait3A = arith.constant 0 : i32
      %dma_wait3A_20 = arith.constant 0 : i32
      %dma_wait3A_21 = tpu.memref_slice %arg4[%add3A, %dma_wait3A, %dma_wait3A_20] : memref<32x84x128xi32, #tpu.memory_space<hbm>> -> memref<1x84x128xi32, #tpu.memory_space<hbm>>
      %dma_wait3A_22 = tpu.memref_squeeze %dma_wait3A_21 : memref<1x84x128xi32, #tpu.memory_space<hbm>> -> memref<84x128xi32, #tpu.memory_space<hbm>>
      %dma_wait3A_23 = arith.constant 0 : i32
      %dma_wait3A_24 = arith.constant 0 : i32
      %dma_wait3A_25 = tpu.memref_slice %arg4[%add3A, %dma_wait3A_23, %dma_wait3A_24] : memref<32x84x128xi32, #tpu.memory_space<hbm>> -> memref<1x84x128xi32, #tpu.memory_space<hbm>>
      %dma_wait3A_26 = tpu.memref_squeeze %dma_wait3A_25 : memref<1x84x128xi32, #tpu.memory_space<hbm>> -> memref<84x128xi32, #tpu.memory_space<hbm>>
      tpu.wait_dma2 semaphore(%run_scoped3A_12 : memref<!tpu.dma_semaphore, #tpu.memory_space<semaphore_mem>>) src(%dma_wait3A_26 : memref<84x128xi32, #tpu.memory_space<hbm>>) dst(%arg9 : memref<84x128xi32, #tpu.memory_space<vmem>>)
      tpu.yield
    }) : () -> ()
    "tpu.region"() ({
      %run_scoped3A_12 = tpu.sem_alloc : memref<!tpu.dma_semaphore, #tpu.memory_space<semaphore_mem>>
      %dma_start3A = arith.constant 0 : i32
      %dma_start3A_13 = arith.constant 0 : i32
      %dma_start3A_14 = tpu.memref_slice %arg5[%add3A, %dma_start3A, %dma_start3A_13] : memref<32x84x128xi32, #tpu.memory_space<hbm>> -> memref<1x84x128xi32, #tpu.memory_space<hbm>>
      %dma_start3A_15 = tpu.memref_squeeze %dma_start3A_14 : memref<1x84x128xi32, #tpu.memory_space<hbm>> -> memref<84x128xi32, #tpu.memory_space<hbm>>
      %dma_start3A_16 = arith.constant 0 : i32
      %dma_start3A_17 = arith.constant 0 : i32
      %dma_start3A_18 = tpu.memref_slice %arg5[%add3A, %dma_start3A_16, %dma_start3A_17] : memref<32x84x128xi32, #tpu.memory_space<hbm>> -> memref<1x84x128xi32, #tpu.memory_space<hbm>>
      %dma_start3A_19 = tpu.memref_squeeze %dma_start3A_18 : memref<1x84x128xi32, #tpu.memory_space<hbm>> -> memref<84x128xi32, #tpu.memory_space<hbm>>
      tpu.enqueue_dma source(%dma_start3A_19 : memref<84x128xi32, #tpu.memory_space<hbm>>) target(%arg10 : memref<84x128xi32, #tpu.memory_space<vmem>>) target_semaphore(%run_scoped3A_12 : memref<!tpu.dma_semaphore, #tpu.memory_space<semaphore_mem>>)
      %dma_wait3A = arith.constant 0 : i32
      %dma_wait3A_20 = arith.constant 0 : i32
      %dma_wait3A_21 = tpu.memref_slice %arg5[%add3A, %dma_wait3A, %dma_wait3A_20] : memref<32x84x128xi32, #tpu.memory_space<hbm>> -> memref<1x84x128xi32, #tpu.memory_space<hbm>>
      %dma_wait3A_22 = tpu.memref_squeeze %dma_wait3A_21 : memref<1x84x128xi32, #tpu.memory_space<hbm>> -> memref<84x128xi32, #tpu.memory_space<hbm>>
      %dma_wait3A_23 = arith.constant 0 : i32
      %dma_wait3A_24 = arith.constant 0 : i32
      %dma_wait3A_25 = tpu.memref_slice %arg5[%add3A, %dma_wait3A_23, %dma_wait3A_24] : memref<32x84x128xi32, #tpu.memory_space<hbm>> -> memref<1x84x128xi32, #tpu.memory_space<hbm>>
      %dma_wait3A_26 = tpu.memref_squeeze %dma_wait3A_25 : memref<1x84x128xi32, #tpu.memory_space<hbm>> -> memref<84x128xi32, #tpu.memory_space<hbm>>
      tpu.wait_dma2 semaphore(%run_scoped3A_12 : memref<!tpu.dma_semaphore, #tpu.memory_space<semaphore_mem>>) src(%dma_wait3A_26 : memref<84x128xi32, #tpu.memory_space<hbm>>) dst(%arg10 : memref<84x128xi32, #tpu.memory_space<vmem>>)
      tpu.yield
    }) : () -> ()
    %run_scoped3A = arith.constant 0 : i32
    "tpu.region"() ({
      %run_scoped3A_12 = tpu.sem_alloc : memref<!tpu.dma_semaphore, #tpu.memory_space<semaphore_mem>>
      %dma_start3A = arith.constant 0 : i32
      %dma_start3A_13 = tpu.memref_slice %arg3[%run_scoped3A, %dma_start3A] : memref<8x10240xf32, #tpu.memory_space<hbm>> -> memref<1x10240xf32, #tpu.memory_space<hbm>>
      %dma_start3A_14 = tpu.memref_squeeze %dma_start3A_13 : memref<1x10240xf32, #tpu.memory_space<hbm>> -> memref<10240xf32, #tpu.memory_space<hbm>>
      %dma_start3A_15 = arith.constant 0 : i32
      %dma_start3A_16 = tpu.memref_slice %arg3[%run_scoped3A, %dma_start3A_15] : memref<8x10240xf32, #tpu.memory_space<hbm>> -> memref<1x10240xf32, #tpu.memory_space<hbm>>
      %dma_start3A_17 = tpu.memref_squeeze %dma_start3A_16 : memref<1x10240xf32, #tpu.memory_space<hbm>> -> memref<10240xf32, #tpu.memory_space<hbm>>
      tpu.enqueue_dma source(%dma_start3A_17 : memref<10240xf32, #tpu.memory_space<hbm>>) target(%arg11 : memref<10240xf32, #tpu.memory_space<vmem>>) target_semaphore(%run_scoped3A_12 : memref<!tpu.dma_semaphore, #tpu.memory_space<semaphore_mem>>)
      %dma_wait3A = arith.constant 0 : i32
      %dma_wait3A_18 = tpu.memref_slice %arg3[%run_scoped3A, %dma_wait3A] : memref<8x10240xf32, #tpu.memory_space<hbm>> -> memref<1x10240xf32, #tpu.memory_space<hbm>>
      %dma_wait3A_19 = tpu.memref_squeeze %dma_wait3A_18 : memref<1x10240xf32, #tpu.memory_space<hbm>> -> memref<10240xf32, #tpu.memory_space<hbm>>
      %dma_wait3A_20 = arith.constant 0 : i32
      %dma_wait3A_21 = tpu.memref_slice %arg3[%run_scoped3A, %dma_wait3A_20] : memref<8x10240xf32, #tpu.memory_space<hbm>> -> memref<1x10240xf32, #tpu.memory_space<hbm>>
      %dma_wait3A_22 = tpu.memref_squeeze %dma_wait3A_21 : memref<1x10240xf32, #tpu.memory_space<hbm>> -> memref<10240xf32, #tpu.memory_space<hbm>>
      tpu.wait_dma2 semaphore(%run_scoped3A_12 : memref<!tpu.dma_semaphore, #tpu.memory_space<semaphore_mem>>) src(%dma_wait3A_22 : memref<10240xf32, #tpu.memory_space<hbm>>) dst(%arg11 : memref<10240xf32, #tpu.memory_space<vmem>>)
      tpu.yield
    }) : () -> ()
    %run_scoped3A_3 = arith.constant 1 : i32
    "tpu.region"() ({
      %run_scoped3A_12 = tpu.sem_alloc : memref<!tpu.dma_semaphore, #tpu.memory_space<semaphore_mem>>
      %dma_start3A = arith.constant 0 : i32
      %dma_start3A_13 = tpu.memref_slice %arg3[%run_scoped3A_3, %dma_start3A] : memref<8x10240xf32, #tpu.memory_space<hbm>> -> memref<1x10240xf32, #tpu.memory_space<hbm>>
      %dma_start3A_14 = tpu.memref_squeeze %dma_start3A_13 : memref<1x10240xf32, #tpu.memory_space<hbm>> -> memref<10240xf32, #tpu.memory_space<hbm>>
      %dma_start3A_15 = arith.constant 0 : i32
      %dma_start3A_16 = tpu.memref_slice %arg3[%run_scoped3A_3, %dma_start3A_15] : memref<8x10240xf32, #tpu.memory_space<hbm>> -> memref<1x10240xf32, #tpu.memory_space<hbm>>
      %dma_start3A_17 = tpu.memref_squeeze %dma_start3A_16 : memref<1x10240xf32, #tpu.memory_space<hbm>> -> memref<10240xf32, #tpu.memory_space<hbm>>
      tpu.enqueue_dma source(%dma_start3A_17 : memref<10240xf32, #tpu.memory_space<hbm>>) target(%arg12 : memref<10240xf32, #tpu.memory_space<vmem>>) target_semaphore(%run_scoped3A_12 : memref<!tpu.dma_semaphore, #tpu.memory_space<semaphore_mem>>)
      %dma_wait3A = arith.constant 0 : i32
      %dma_wait3A_18 = tpu.memref_slice %arg3[%run_scoped3A_3, %dma_wait3A] : memref<8x10240xf32, #tpu.memory_space<hbm>> -> memref<1x10240xf32, #tpu.memory_space<hbm>>
      %dma_wait3A_19 = tpu.memref_squeeze %dma_wait3A_18 : memref<1x10240xf32, #tpu.memory_space<hbm>> -> memref<10240xf32, #tpu.memory_space<hbm>>
      %dma_wait3A_20 = arith.constant 0 : i32
      %dma_wait3A_21 = tpu.memref_slice %arg3[%run_scoped3A_3, %dma_wait3A_20] : memref<8x10240xf32, #tpu.memory_space<hbm>> -> memref<1x10240xf32, #tpu.memory_space<hbm>>
      %dma_wait3A_22 = tpu.memref_squeeze %dma_wait3A_21 : memref<1x10240xf32, #tpu.memory_space<hbm>> -> memref<10240xf32, #tpu.memory_space<hbm>>
      tpu.wait_dma2 semaphore(%run_scoped3A_12 : memref<!tpu.dma_semaphore, #tpu.memory_space<semaphore_mem>>) src(%dma_wait3A_22 : memref<10240xf32, #tpu.memory_space<hbm>>) dst(%arg12 : memref<10240xf32, #tpu.memory_space<vmem>>)
      tpu.yield
    }) : () -> ()
    %parallel_loop3A = arith.constant 0 : i32
    %parallel_loop3A_4 = arith.constant 10240 : i32
    %parallel_loop3A_5 = arith.constant 16 : i32
    scf.for %parallel_loop3A_12 = %parallel_loop3A to %parallel_loop3A_4 step %parallel_loop3A_5  : i32 {
      %parallel_loop3A_13 = arith.constant 0.000000e+00 : f32
      %parallel_loop3A_14 = vector.broadcast %parallel_loop3A_13 : f32 to vector<16xf32>
      %parallel_loop3A_15 = arith.index_cast %parallel_loop3A_12 : i32 to index
      %parallel_loop3A_16 = tpu.vector_load %arg15[%parallel_loop3A_15] {strides = array<i32>} : memref<10240xf32, #tpu.memory_space<vmem>>, vector<16xf32>,
      tpu.vector_store %arg15[%parallel_loop3A_15], %parallel_loop3A_14 {strides = array<i32>} : memref<10240xf32, #tpu.memory_space<vmem>>, vector<16xf32>,
    } {sc.loop_unroll_factor = 8 : i64, sc.parallel_access}
    "tpu.region"() ({
      %run_scoped3A_12 = tpu.sem_alloc : memref<!tpu.dma_semaphore, #tpu.memory_space<semaphore_mem>>
      %dma_start3A = arith.constant 0 : i32
      %dma_start3A_13 = tpu.memref_slice %arg16[%mul3A_2, %dma_start3A] : memref<10240x32xf32, #tpu.memory_space<vmem_shared>> -> memref<640x32xf32, #tpu.memory_space<vmem_shared>>
      tpu.enqueue_dma source(%arg6 : memref<640x32xf32, #tpu.memory_space<hbm>>) target(%dma_start3A_13 : memref<640x32xf32, #tpu.memory_space<vmem_shared>>) target_semaphore(%run_scoped3A_12 : memref<!tpu.dma_semaphore, #tpu.memory_space<semaphore_mem>>)
      %dma_wait3A = arith.constant 0 : i32
      %dma_wait3A_14 = tpu.memref_slice %arg16[%mul3A_2, %dma_wait3A] : memref<10240x32xf32, #tpu.memory_space<vmem_shared>> -> memref<640x32xf32, #tpu.memory_space<vmem_shared>>
      tpu.wait_dma2 semaphore(%run_scoped3A_12 : memref<!tpu.dma_semaphore, #tpu.memory_space<semaphore_mem>>) src(%arg6 : memref<640x32xf32, #tpu.memory_space<hbm>>) dst(%dma_wait3A_14 : memref<640x32xf32, #tpu.memory_space<vmem_shared>>)
      tpu.yield
    }) : () -> ()
    "tpu.region"() ({
      %run_scoped3A_12 = tpu.sem_alloc : memref<!tpu.dma_semaphore, #tpu.memory_space<semaphore_mem>>
      %dma_start3A = arith.constant 0 : i32
      %dma_start3A_13 = tpu.memref_slice %arg17[%mul3A_2, %dma_start3A] : memref<10240x32xf32, #tpu.memory_space<vmem_shared>> -> memref<640x32xf32, #tpu.memory_space<vmem_shared>>
      %dma_start3A_14 = arith.constant 0 : i32
      %dma_start3A_15 = tpu.memref_slice %arg2[%mul3A_2, %dma_start3A_14] : memref<10240x32xf32, #tpu.memory_space<hbm>> -> memref<640x32xf32, #tpu.memory_space<hbm>>
      tpu.enqueue_dma source(%dma_start3A_15 : memref<640x32xf32, #tpu.memory_space<hbm>>) target(%dma_start3A_13 : memref<640x32xf32, #tpu.memory_space<vmem_shared>>) target_semaphore(%run_scoped3A_12 : memref<!tpu.dma_semaphore, #tpu.memory_space<semaphore_mem>>)
      %dma_wait3A = arith.constant 0 : i32
      %dma_wait3A_16 = tpu.memref_slice %arg17[%mul3A_2, %dma_wait3A] : memref<10240x32xf32, #tpu.memory_space<vmem_shared>> -> memref<640x32xf32, #tpu.memory_space<vmem_shared>>
      %dma_wait3A_17 = arith.constant 0 : i32
      %dma_wait3A_18 = tpu.memref_slice %arg2[%mul3A_2, %dma_wait3A_17] : memref<10240x32xf32, #tpu.memory_space<hbm>> -> memref<640x32xf32, #tpu.memory_space<hbm>>
      tpu.wait_dma2 semaphore(%run_scoped3A_12 : memref<!tpu.dma_semaphore, #tpu.memory_space<semaphore_mem>>) src(%dma_wait3A_18 : memref<640x32xf32, #tpu.memory_space<hbm>>) dst(%dma_wait3A_16 : memref<640x32xf32, #tpu.memory_space<vmem_shared>>)
      tpu.yield
    }) : () -> ()
    %barrier3A = arith.constant 0 : index
    tpu.barrier barrier_id(%barrier3A)
    %scan3A = arith.constant 0 : i32
    %scan3A_6 = arith.constant 0 : i32
    %scan3A_7 = arith.constant 82 : i32
    %scan3A_8 = arith.addi %scan3A_6, %scan3A_7 : i32
    %scan3A_9 = arith.constant 1 : i32
    scf.for %scan3A_12 = %scan3A_6 to %scan3A_8 step %scan3A_9  : i32 {
      %dma_start3A = arith.constant 0 : i32
      %dma_start3A_13 = tpu.memref_slice %arg9[%scan3A_12, %dma_start3A] : memref<84x128xi32, #tpu.memory_space<vmem>> -> memref<1x128xi32, #tpu.memory_space<vmem>>
      %dma_start3A_14 = tpu.memref_squeeze %dma_start3A_13 : memref<1x128xi32, #tpu.memory_space<vmem>> -> memref<128xi32, #tpu.memory_space<vmem>>
      %dma_start3A_15 = arith.constant 0 : i32
      %dma_start3A_16 = arith.constant 0 : i32
      %dma_start3A_17 = tpu.memref_slice %arg17[%dma_start3A_15, %dma_start3A_16] : memref<10240x32xf32, #tpu.memory_space<vmem_shared>> -> memref<10240x32xf32, #tpu.memory_space<vmem_shared>>
      tpu.enqueue_indirect_dma source(%dma_start3A_17 : memref<10240x32xf32, #tpu.memory_space<vmem_shared>>) target(%arg13 : memref<128x32xf32, #tpu.memory_space<vmem>>) offsets(%dma_start3A_14 : memref<128xi32, #tpu.memory_space<vmem>>) semaphore(%arg18 : memref<!tpu.dma_semaphore, #tpu.memory_space<semaphore_mem>>)
      %parallel_loop3A_18 = arith.constant 0 : i32
      %parallel_loop3A_19 = arith.constant 128 : i32
      %parallel_loop3A_20 = arith.constant 16 : i32
      scf.for %parallel_loop3A_68 = %parallel_loop3A_18 to %parallel_loop3A_19 step %parallel_loop3A_20  : i32 {
        %parallel_loop3A_69 = arith.index_cast %scan3A_12 : i32 to index
        %parallel_loop3A_70 = arith.index_cast %parallel_loop3A_68 : i32 to index
        %parallel_loop3A_71 = tpu.vector_load %arg9[%parallel_loop3A_69, %parallel_loop3A_70] {strides = array<i32>} : memref<84x128xi32, #tpu.memory_space<vmem>>, vector<16xi32>,
        %parallel_loop3A_72 = arith.index_cast %scan3A_12 : i32 to index
        %parallel_loop3A_73 = arith.index_cast %parallel_loop3A_68 : i32 to index
        %parallel_loop3A_74 = tpu.vector_load %arg10[%parallel_loop3A_72, %parallel_loop3A_73] {strides = array<i32>} : memref<84x128xi32, #tpu.memory_space<vmem>>, vector<16xi32>,
        %parallel_loop3A_75 = tpu.vector_load_idx %arg11[%parallel_loop3A_71] : memref<10240xf32, #tpu.memory_space<vmem>>[vector<16xi32>], vector<16xf32>,
        %parallel_loop3A_76 = tpu.vector_load_idx %arg12[%parallel_loop3A_74] : memref<10240xf32, #tpu.memory_space<vmem>>[vector<16xi32>], vector<16xf32>,
        %parallel_loop3A_77 = arith.addf %parallel_loop3A_75, %parallel_loop3A_76 : vector<16xf32>
        %parallel_loop3A_78 = arith.constant 2.000000e-01 : f32
        %parallel_loop3A_79 = vector.broadcast %parallel_loop3A_78 : f32 to vector<16xf32>
        %parallel_loop3A_80 = arith.mulf %parallel_loop3A_79, %parallel_loop3A_77 : vector<16xf32>
        %parallel_loop3A_81 = arith.maximumf %parallel_loop3A_77, %parallel_loop3A_80 : vector<16xf32>
        %parallel_loop3A_82 = math.exp %parallel_loop3A_81 : vector<16xf32>
        %parallel_loop3A_83 = arith.constant 16 : i32
        %parallel_loop3A_84 = arith.addi %parallel_loop3A_83, %parallel_loop3A_68 : i32
        %parallel_loop3A_85 = arith.index_cast %parallel_loop3A_84 : i32 to index
        %parallel_loop3A_86 = tpu.vector_load %arg14[%parallel_loop3A_85] {strides = array<i32>} : memref<144xf32, #tpu.memory_space<vmem>>, vector<16xf32>,
        tpu.vector_store %arg14[%parallel_loop3A_85], %parallel_loop3A_82 {strides = array<i32>} : memref<144xf32, #tpu.memory_space<vmem>>, vector<16xf32>,
      } {sc.loop_unroll_factor = 8 : i64, sc.parallel_access}
      %get3A = arith.index_cast %scan3A_12 : i32 to index
      %get3A_21 = arith.constant 0 : index
      %get3A_22 = tpu.vector_load %arg10[%get3A, %get3A_21] {strides = array<i32>} : memref<84x128xi32, #tpu.memory_space<vmem>>, vector<16xi32>,
      %get3A_23 = arith.constant 16 : index
      %get3A_24 = tpu.vector_load %arg14[%get3A_23] {strides = array<i32>} : memref<144xf32, #tpu.memory_space<vmem>>, vector<16xf32>,
      tpu.vector_store_idx %arg15[%get3A_22], %get3A_24 {add = true} : memref<10240xf32, #tpu.memory_space<vmem>>[vector<16xi32>], vector<16xf32>,
      %get3A_25 = arith.index_cast %scan3A_12 : i32 to index
      %get3A_26 = arith.constant 16 : index
      %get3A_27 = tpu.vector_load %arg10[%get3A_25, %get3A_26] {strides = array<i32>} : memref<84x128xi32, #tpu.memory_space<vmem>>, vector<16xi32>,
      %get3A_28 = arith.constant 32 : index
      %get3A_29 = tpu.vector_load %arg14[%get3A_28] {strides = array<i32>} : memref<144xf32, #tpu.memory_space<vmem>>, vector<16xf32>,
      tpu.vector_store_idx %arg15[%get3A_27], %get3A_29 {add = true} : memref<10240xf32, #tpu.memory_space<vmem>>[vector<16xi32>], vector<16xf32>,
      %get3A_30 = arith.index_cast %scan3A_12 : i32 to index
      %get3A_31 = arith.constant 32 : index
      %get3A_32 = tpu.vector_load %arg10[%get3A_30, %get3A_31] {strides = array<i32>} : memref<84x128xi32, #tpu.memory_space<vmem>>, vector<16xi32>,
      %get3A_33 = arith.constant 48 : index
      %get3A_34 = tpu.vector_load %arg14[%get3A_33] {strides = array<i32>} : memref<144xf32, #tpu.memory_space<vmem>>, vector<16xf32>,
      tpu.vector_store_idx %arg15[%get3A_32], %get3A_34 {add = true} : memref<10240xf32, #tpu.memory_space<vmem>>[vector<16xi32>], vector<16xf32>,
      %get3A_35 = arith.index_cast %scan3A_12 : i32 to index
      %get3A_36 = arith.constant 48 : index
      %get3A_37 = tpu.vector_load %arg10[%get3A_35, %get3A_36] {strides = array<i32>} : memref<84x128xi32, #tpu.memory_space<vmem>>, vector<16xi32>,
      %get3A_38 = arith.constant 64 : index
      %get3A_39 = tpu.vector_load %arg14[%get3A_38] {strides = array<i32>} : memref<144xf32, #tpu.memory_space<vmem>>, vector<16xf32>,
      tpu.vector_store_idx %arg15[%get3A_37], %get3A_39 {add = true} : memref<10240xf32, #tpu.memory_space<vmem>>[vector<16xi32>], vector<16xf32>,
      %get3A_40 = arith.index_cast %scan3A_12 : i32 to index
      %get3A_41 = arith.constant 64 : index
      %get3A_42 = tpu.vector_load %arg10[%get3A_40, %get3A_41] {strides = array<i32>} : memref<84x128xi32, #tpu.memory_space<vmem>>, vector<16xi32>,
      %get3A_43 = arith.constant 80 : index
      %get3A_44 = tpu.vector_load %arg14[%get3A_43] {strides = array<i32>} : memref<144xf32, #tpu.memory_space<vmem>>, vector<16xf32>,
      tpu.vector_store_idx %arg15[%get3A_42], %get3A_44 {add = true} : memref<10240xf32, #tpu.memory_space<vmem>>[vector<16xi32>], vector<16xf32>,
      %get3A_45 = arith.index_cast %scan3A_12 : i32 to index
      %get3A_46 = arith.constant 80 : index
      %get3A_47 = tpu.vector_load %arg10[%get3A_45, %get3A_46] {strides = array<i32>} : memref<84x128xi32, #tpu.memory_space<vmem>>, vector<16xi32>,
      %get3A_48 = arith.constant 96 : index
      %get3A_49 = tpu.vector_load %arg14[%get3A_48] {strides = array<i32>} : memref<144xf32, #tpu.memory_space<vmem>>, vector<16xf32>,
      tpu.vector_store_idx %arg15[%get3A_47], %get3A_49 {add = true} : memref<10240xf32, #tpu.memory_space<vmem>>[vector<16xi32>], vector<16xf32>,
      %get3A_50 = arith.index_cast %scan3A_12 : i32 to index
      %get3A_51 = arith.constant 96 : index
      %get3A_52 = tpu.vector_load %arg10[%get3A_50, %get3A_51] {strides = array<i32>} : memref<84x128xi32, #tpu.memory_space<vmem>>, vector<16xi32>,
      %get3A_53 = arith.constant 112 : index
      %get3A_54 = tpu.vector_load %arg14[%get3A_53] {strides = array<i32>} : memref<144xf32, #tpu.memory_space<vmem>>, vector<16xf32>,
      tpu.vector_store_idx %arg15[%get3A_52], %get3A_54 {add = true} : memref<10240xf32, #tpu.memory_space<vmem>>[vector<16xi32>], vector<16xf32>,
      %get3A_55 = arith.index_cast %scan3A_12 : i32 to index
      %get3A_56 = arith.constant 112 : index
      %get3A_57 = tpu.vector_load %arg10[%get3A_55, %get3A_56] {strides = array<i32>} : memref<84x128xi32, #tpu.memory_space<vmem>>, vector<16xi32>,
      %get3A_58 = arith.constant 128 : index
      %get3A_59 = tpu.vector_load %arg14[%get3A_58] {strides = array<i32>} : memref<144xf32, #tpu.memory_space<vmem>>, vector<16xf32>,
      tpu.vector_store_idx %arg15[%get3A_57], %get3A_59 {add = true} : memref<10240xf32, #tpu.memory_space<vmem>>[vector<16xi32>], vector<16xf32>,
      %dma_wait3A = arith.constant 0 : i32
      %dma_wait3A_60 = tpu.memref_slice %arg9[%scan3A_12, %dma_wait3A] : memref<84x128xi32, #tpu.memory_space<vmem>> -> memref<1x128xi32, #tpu.memory_space<vmem>>
      %dma_wait3A_61 = tpu.memref_squeeze %dma_wait3A_60 : memref<1x128xi32, #tpu.memory_space<vmem>> -> memref<128xi32, #tpu.memory_space<vmem>>
      %dma_wait3A_62 = arith.constant 0 : i32
      %dma_wait3A_63 = arith.constant 0 : i32
      %dma_wait3A_64 = tpu.memref_slice %arg17[%dma_wait3A_62, %dma_wait3A_63] : memref<10240x32xf32, #tpu.memory_space<vmem_shared>> -> memref<10240x32xf32, #tpu.memory_space<vmem_shared>>
      tpu.wait_indirect_dma semaphore(%arg18 : memref<!tpu.dma_semaphore, #tpu.memory_space<semaphore_mem>>) src(%dma_wait3A_64 : memref<10240x32xf32, #tpu.memory_space<vmem_shared>>) dst(%arg13 : memref<128x32xf32, #tpu.memory_space<vmem>>)
      %parallel_loop3A_65 = arith.constant 0 : i32
      %parallel_loop3A_66 = arith.constant 128 : i32
      %parallel_loop3A_67 = arith.constant 1 : i32
      scf.for %parallel_loop3A_68 = %parallel_loop3A_65 to %parallel_loop3A_66 step %parallel_loop3A_67  : i32 {
        %parallel_loop3A_69 = arith.constant 16 : i32
        %parallel_loop3A_70 = vector.broadcast %parallel_loop3A_69 : i32 to vector<16xi32>
        %parallel_loop3A_71 = vector.broadcast %parallel_loop3A_68 : i32 to vector<16xi32>
        %parallel_loop3A_72 = arith.addi %parallel_loop3A_70, %parallel_loop3A_71 : vector<16xi32>
        %parallel_loop3A_73 = tpu.vector_load_idx %arg14[%parallel_loop3A_72] : memref<144xf32, #tpu.memory_space<vmem>>[vector<16xi32>], vector<16xf32>,
        %parallel_loop3A_74 = arith.index_cast %parallel_loop3A_68 : i32 to index
        %parallel_loop3A_75 = arith.constant 0 : index
        %parallel_loop3A_76 = tpu.vector_load %arg13[%parallel_loop3A_74, %parallel_loop3A_75] {strides = array<i32>} : memref<128x32xf32, #tpu.memory_space<vmem>>, vector<16xf32>,
        %parallel_loop3A_77 = arith.mulf %parallel_loop3A_76, %parallel_loop3A_73 : vector<16xf32>
        %parallel_loop3A_78 = arith.index_cast %parallel_loop3A_68 : i32 to index
        %parallel_loop3A_79 = arith.constant 0 : index
        %parallel_loop3A_80 = tpu.vector_load %arg13[%parallel_loop3A_78, %parallel_loop3A_79] {strides = array<i32>} : memref<128x32xf32, #tpu.memory_space<vmem>>, vector<16xf32>,
        tpu.vector_store %arg13[%parallel_loop3A_78, %parallel_loop3A_79], %parallel_loop3A_77 {strides = array<i32>} : memref<128x32xf32, #tpu.memory_space<vmem>>, vector<16xf32>,
        %parallel_loop3A_81 = arith.index_cast %parallel_loop3A_68 : i32 to index
        %parallel_loop3A_82 = arith.constant 16 : index
        %parallel_loop3A_83 = tpu.vector_load %arg13[%parallel_loop3A_81, %parallel_loop3A_82] {strides = array<i32>} : memref<128x32xf32, #tpu.memory_space<vmem>>, vector<16xf32>,
        %parallel_loop3A_84 = arith.mulf %parallel_loop3A_83, %parallel_loop3A_73 : vector<16xf32>
        %parallel_loop3A_85 = arith.index_cast %parallel_loop3A_68 : i32 to index
        %parallel_loop3A_86 = arith.constant 16 : index
        %parallel_loop3A_87 = tpu.vector_load %arg13[%parallel_loop3A_85, %parallel_loop3A_86] {strides = array<i32>} : memref<128x32xf32, #tpu.memory_space<vmem>>, vector<16xf32>,
        tpu.vector_store %arg13[%parallel_loop3A_85, %parallel_loop3A_86], %parallel_loop3A_84 {strides = array<i32>} : memref<128x32xf32, #tpu.memory_space<vmem>>, vector<16xf32>,
      } {sc.loop_unroll_factor = 16 : i64, sc.parallel_access}
      "tpu.region"() ({
        %run_scoped3A_68 = tpu.sem_alloc : memref<!tpu.dma_semaphore, #tpu.memory_space<semaphore_mem>>
        %dma_start3A_69 = arith.constant 0 : i32
        %dma_start3A_70 = tpu.memref_slice %arg10[%scan3A_12, %dma_start3A_69] : memref<84x128xi32, #tpu.memory_space<vmem>> -> memref<1x128xi32, #tpu.memory_space<vmem>>
        %dma_start3A_71 = tpu.memref_squeeze %dma_start3A_70 : memref<1x128xi32, #tpu.memory_space<vmem>> -> memref<128xi32, #tpu.memory_space<vmem>>
        %dma_start3A_72 = arith.constant 0 : i32
        %dma_start3A_73 = arith.constant 0 : i32
        %dma_start3A_74 = tpu.memref_slice %arg16[%dma_start3A_72, %dma_start3A_73] : memref<10240x32xf32, #tpu.memory_space<vmem_shared>> -> memref<10240x32xf32, #tpu.memory_space<vmem_shared>>
        tpu.enqueue_indirect_dma source(%arg13 : memref<128x32xf32, #tpu.memory_space<vmem>>) target(%dma_start3A_74 : memref<10240x32xf32, #tpu.memory_space<vmem_shared>>) offsets(%dma_start3A_71 : memref<128xi32, #tpu.memory_space<vmem>>) semaphore(%run_scoped3A_68 : memref<!tpu.dma_semaphore, #tpu.memory_space<semaphore_mem>>) {add = true}
        %dma_wait3A_75 = arith.constant 0 : i32
        %dma_wait3A_76 = tpu.memref_slice %arg10[%scan3A_12, %dma_wait3A_75] : memref<84x128xi32, #tpu.memory_space<vmem>> -> memref<1x128xi32, #tpu.memory_space<vmem>>
        %dma_wait3A_77 = tpu.memref_squeeze %dma_wait3A_76 : memref<1x128xi32, #tpu.memory_space<vmem>> -> memref<128xi32, #tpu.memory_space<vmem>>
        %dma_wait3A_78 = arith.constant 0 : i32
        %dma_wait3A_79 = arith.constant 0 : i32
        %dma_wait3A_80 = tpu.memref_slice %arg16[%dma_wait3A_78, %dma_wait3A_79] : memref<10240x32xf32, #tpu.memory_space<vmem_shared>> -> memref<10240x32xf32, #tpu.memory_space<vmem_shared>>
        tpu.wait_indirect_dma semaphore(%run_scoped3A_68 : memref<!tpu.dma_semaphore, #tpu.memory_space<semaphore_mem>>) src(%arg13 : memref<128x32xf32, #tpu.memory_space<vmem>>) dst(%dma_wait3A_80 : memref<10240x32xf32, #tpu.memory_space<vmem_shared>>)
        tpu.yield
      }) : () -> ()
    }
    %scan3A_10 = arith.constant 82 : i32
    "tpu.region"() ({
      %run_scoped3A_12 = tpu.sem_alloc : memref<!tpu.dma_semaphore, #tpu.memory_space<semaphore_mem>>
      %dma_start3A = arith.constant 0 : i32
      %dma_start3A_13 = tpu.memref_slice %arg8[%arg0, %arg1, %dma_start3A] : memref<2x16x10240xf32, #tpu.memory_space<hbm>> -> memref<1x1x10240xf32, #tpu.memory_space<hbm>>
      %dma_start3A_14 = tpu.memref_squeeze %dma_start3A_13 : memref<1x1x10240xf32, #tpu.memory_space<hbm>> -> memref<10240xf32, #tpu.memory_space<hbm>>
      %dma_start3A_15 = arith.constant 0 : i32
      %dma_start3A_16 = tpu.memref_slice %arg8[%arg0, %arg1, %dma_start3A_15] : memref<2x16x10240xf32, #tpu.memory_space<hbm>> -> memref<1x1x10240xf32, #tpu.memory_space<hbm>>
      %dma_start3A_17 = tpu.memref_squeeze %dma_start3A_16 : memref<1x1x10240xf32, #tpu.memory_space<hbm>> -> memref<10240xf32, #tpu.memory_space<hbm>>
      tpu.enqueue_dma source(%arg15 : memref<10240xf32, #tpu.memory_space<vmem>>) target(%dma_start3A_17 : memref<10240xf32, #tpu.memory_space<hbm>>) target_semaphore(%run_scoped3A_12 : memref<!tpu.dma_semaphore, #tpu.memory_space<semaphore_mem>>)
      %dma_wait3A = arith.constant 0 : i32
      %dma_wait3A_18 = tpu.memref_slice %arg8[%arg0, %arg1, %dma_wait3A] : memref<2x16x10240xf32, #tpu.memory_space<hbm>> -> memref<1x1x10240xf32, #tpu.memory_space<hbm>>
      %dma_wait3A_19 = tpu.memref_squeeze %dma_wait3A_18 : memref<1x1x10240xf32, #tpu.memory_space<hbm>> -> memref<10240xf32, #tpu.memory_space<hbm>>
      %dma_wait3A_20 = arith.constant 0 : i32
      %dma_wait3A_21 = tpu.memref_slice %arg8[%arg0, %arg1, %dma_wait3A_20] : memref<2x16x10240xf32, #tpu.memory_space<hbm>> -> memref<1x1x10240xf32, #tpu.memory_space<hbm>>
      %dma_wait3A_22 = tpu.memref_squeeze %dma_wait3A_21 : memref<1x1x10240xf32, #tpu.memory_space<hbm>> -> memref<10240xf32, #tpu.memory_space<hbm>>
      tpu.wait_dma2 semaphore(%run_scoped3A_12 : memref<!tpu.dma_semaphore, #tpu.memory_space<semaphore_mem>>) src(%arg15 : memref<10240xf32, #tpu.memory_space<vmem>>) dst(%dma_wait3A_22 : memref<10240xf32, #tpu.memory_space<hbm>>)
      tpu.yield
    }) : () -> ()
    %barrier3A_11 = arith.constant 0 : index
    tpu.barrier barrier_id(%barrier3A_11)
    "tpu.region"() ({
      %run_scoped3A_12 = tpu.sem_alloc : memref<!tpu.dma_semaphore, #tpu.memory_space<semaphore_mem>>
      %dma_start3A = arith.constant 0 : i32
      %dma_start3A_13 = tpu.memref_slice %arg7[%arg0, %mul3A_2, %dma_start3A] : memref<2x10240x32xf32, #tpu.memory_space<hbm>> -> memref<1x640x32xf32, #tpu.memory_space<hbm>>
      %dma_start3A_14 = tpu.memref_squeeze %dma_start3A_13 : memref<1x640x32xf32, #tpu.memory_space<hbm>> -> memref<640x32xf32, #tpu.memory_space<hbm>>
      %dma_start3A_15 = arith.constant 0 : i32
      %dma_start3A_16 = tpu.memref_slice %arg16[%mul3A_2, %dma_start3A_15] : memref<10240x32xf32, #tpu.memory_space<vmem_shared>> -> memref<640x32xf32, #tpu.memory_space<vmem_shared>>
      tpu.enqueue_dma source(%dma_start3A_16 : memref<640x32xf32, #tpu.memory_space<vmem_shared>>) target(%dma_start3A_14 : memref<640x32xf32, #tpu.memory_space<hbm>>) target_semaphore(%run_scoped3A_12 : memref<!tpu.dma_semaphore, #tpu.memory_space<semaphore_mem>>)
      %dma_wait3A = arith.constant 0 : i32
      %dma_wait3A_17 = tpu.memref_slice %arg7[%arg0, %mul3A_2, %dma_wait3A] : memref<2x10240x32xf32, #tpu.memory_space<hbm>> -> memref<1x640x32xf32, #tpu.memory_space<hbm>>
      %dma_wait3A_18 = tpu.memref_squeeze %dma_wait3A_17 : memref<1x640x32xf32, #tpu.memory_space<hbm>> -> memref<640x32xf32, #tpu.memory_space<hbm>>
      %dma_wait3A_19 = arith.constant 0 : i32
      %dma_wait3A_20 = tpu.memref_slice %arg16[%mul3A_2, %dma_wait3A_19] : memref<10240x32xf32, #tpu.memory_space<vmem_shared>> -> memref<640x32xf32, #tpu.memory_space<vmem_shared>>
      tpu.wait_dma2 semaphore(%run_scoped3A_12 : memref<!tpu.dma_semaphore, #tpu.memory_space<semaphore_mem>>) src(%dma_wait3A_20 : memref<640x32xf32, #tpu.memory_space<vmem_shared>>) dst(%dma_wait3A_18 : memref<640x32xf32, #tpu.memory_space<hbm>>)
      tpu.yield
    }) : () -> ()
    return
  }
}

#map = affine_map<(d0, d1) -> (0, 0)>
#map1 = affine_map<(d0, d1) -> (0, 0, 0)>
module attributes {stable_mosaic.version = 14 : i64} {
  func.func @_edge_pass_body(%arg0: i32, %arg1: i32, %arg2: memref<10240x32xf32, #tpu.memory_space<hbm>>, %arg3: memref<8x10240xf32, #tpu.memory_space<hbm>>, %arg4: memref<32x84x128xi32, #tpu.memory_space<hbm>>, %arg5: memref<32x84x128xi32, #tpu.memory_space<hbm>>, %arg6: memref<640x32xf32, #tpu.memory_space<hbm>>, %arg7: memref<2x10240x32xf32, #tpu.memory_space<hbm>>, %arg8: memref<2x16x10240xf32, #tpu.memory_space<hbm>>, %arg9: memref<84x128xi32, #tpu.memory_space<vmem>>, %arg10: memref<84x128xi32, #tpu.memory_space<vmem>>, %arg11: memref<10240xf32, #tpu.memory_space<vmem>>, %arg12: memref<10240xf32, #tpu.memory_space<vmem>>, %arg13: memref<128x32xf32, #tpu.memory_space<vmem>>, %arg14: memref<144xf32, #tpu.memory_space<vmem>>, %arg15: memref<10240xf32, #tpu.memory_space<vmem>>, %arg16: memref<10240x32xf32, #tpu.memory_space<vmem_shared>>, %arg17: memref<10240x32xf32, #tpu.memory_space<vmem_shared>>, %arg18: memref<!tpu.dma_semaphore, #tpu.memory_space<semaphore_mem>>) attributes {dimension_semantics = [#tpu.dimension_semantics<core_parallel>, #tpu.dimension_semantics<subcore_parallel>], iteration_bounds = array<i64: 2, 16>, scalar_prefetch = 0 : i64, scratch_operands = 10 : i64, tpu.core_type = #tpu.core_type<sc_vector_subcore>, window_params = [{transform_indices = #map}, {transform_indices = #map}, {transform_indices = #map1}, {transform_indices = #map1}, {transform_indices = #map}, {transform_indices = #map1}, {transform_indices = #map1}]} {
    %mul3A = arith.constant 2 : i32
    %mul3A_0 = arith.muli %arg1, %mul3A : i32
    %add3A = arith.addi %mul3A_0, %arg0 : i32
    %mul3A_1 = arith.constant 640 : i32
    %mul3A_2 = arith.muli %arg1, %mul3A_1 : i32
    "tpu.region"() ({
      %run_scoped3A_12 = tpu.sem_alloc : memref<!tpu.dma_semaphore, #tpu.memory_space<semaphore_mem>>
      %dma_start3A = arith.constant 0 : i32
      %dma_start3A_13 = arith.constant 0 : i32
      %dma_start3A_14 = tpu.memref_slice %arg4[%add3A, %dma_start3A, %dma_start3A_13] : memref<32x84x128xi32, #tpu.memory_space<hbm>> -> memref<1x84x128xi32, #tpu.memory_space<hbm>>
      %dma_start3A_15 = tpu.memref_squeeze %dma_start3A_14 : memref<1x84x128xi32, #tpu.memory_space<hbm>> -> memref<84x128xi32, #tpu.memory_space<hbm>>
      %dma_start3A_16 = arith.constant 0 : i32
      %dma_start3A_17 = arith.constant 0 : i32
      %dma_start3A_18 = tpu.memref_slice %arg4[%add3A, %dma_start3A_16, %dma_start3A_17] : memref<32x84x128xi32, #tpu.memory_space<hbm>> -> memref<1x84x128xi32, #tpu.memory_space<hbm>>
      %dma_start3A_19 = tpu.memref_squeeze %dma_start3A_18 : memref<1x84x128xi32, #tpu.memory_space<hbm>> -> memref<84x128xi32, #tpu.memory_space<hbm>>
      tpu.enqueue_dma source(%dma_start3A_19 : memref<84x128xi32, #tpu.memory_space<hbm>>) target(%arg9 : memref<84x128xi32, #tpu.memory_space<vmem>>) target_semaphore(%run_scoped3A_12 : memref<!tpu.dma_semaphore, #tpu.memory_space<semaphore_mem>>)
      %dma_wait3A = arith.constant 0 : i32
      %dma_wait3A_20 = arith.constant 0 : i32
      %dma_wait3A_21 = tpu.memref_slice %arg4[%add3A, %dma_wait3A, %dma_wait3A_20] : memref<32x84x128xi32, #tpu.memory_space<hbm>> -> memref<1x84x128xi32, #tpu.memory_space<hbm>>
      %dma_wait3A_22 = tpu.memref_squeeze %dma_wait3A_21 : memref<1x84x128xi32, #tpu.memory_space<hbm>> -> memref<84x128xi32, #tpu.memory_space<hbm>>
      %dma_wait3A_23 = arith.constant 0 : i32
      %dma_wait3A_24 = arith.constant 0 : i32
      %dma_wait3A_25 = tpu.memref_slice %arg4[%add3A, %dma_wait3A_23, %dma_wait3A_24] : memref<32x84x128xi32, #tpu.memory_space<hbm>> -> memref<1x84x128xi32, #tpu.memory_space<hbm>>
      %dma_wait3A_26 = tpu.memref_squeeze %dma_wait3A_25 : memref<1x84x128xi32, #tpu.memory_space<hbm>> -> memref<84x128xi32, #tpu.memory_space<hbm>>
      tpu.wait_dma2 semaphore(%run_scoped3A_12 : memref<!tpu.dma_semaphore, #tpu.memory_space<semaphore_mem>>) src(%dma_wait3A_26 : memref<84x128xi32, #tpu.memory_space<hbm>>) dst(%arg9 : memref<84x128xi32, #tpu.memory_space<vmem>>)
      tpu.yield
    }) : () -> ()
    "tpu.region"() ({
      %run_scoped3A_12 = tpu.sem_alloc : memref<!tpu.dma_semaphore, #tpu.memory_space<semaphore_mem>>
      %dma_start3A = arith.constant 0 : i32
      %dma_start3A_13 = arith.constant 0 : i32
      %dma_start3A_14 = tpu.memref_slice %arg5[%add3A, %dma_start3A, %dma_start3A_13] : memref<32x84x128xi32, #tpu.memory_space<hbm>> -> memref<1x84x128xi32, #tpu.memory_space<hbm>>
      %dma_start3A_15 = tpu.memref_squeeze %dma_start3A_14 : memref<1x84x128xi32, #tpu.memory_space<hbm>> -> memref<84x128xi32, #tpu.memory_space<hbm>>
      %dma_start3A_16 = arith.constant 0 : i32
      %dma_start3A_17 = arith.constant 0 : i32
      %dma_start3A_18 = tpu.memref_slice %arg5[%add3A, %dma_start3A_16, %dma_start3A_17] : memref<32x84x128xi32, #tpu.memory_space<hbm>> -> memref<1x84x128xi32, #tpu.memory_space<hbm>>
      %dma_start3A_19 = tpu.memref_squeeze %dma_start3A_18 : memref<1x84x128xi32, #tpu.memory_space<hbm>> -> memref<84x128xi32, #tpu.memory_space<hbm>>
      tpu.enqueue_dma source(%dma_start3A_19 : memref<84x128xi32, #tpu.memory_space<hbm>>) target(%arg10 : memref<84x128xi32, #tpu.memory_space<vmem>>) target_semaphore(%run_scoped3A_12 : memref<!tpu.dma_semaphore, #tpu.memory_space<semaphore_mem>>)
      %dma_wait3A = arith.constant 0 : i32
      %dma_wait3A_20 = arith.constant 0 : i32
      %dma_wait3A_21 = tpu.memref_slice %arg5[%add3A, %dma_wait3A, %dma_wait3A_20] : memref<32x84x128xi32, #tpu.memory_space<hbm>> -> memref<1x84x128xi32, #tpu.memory_space<hbm>>
      %dma_wait3A_22 = tpu.memref_squeeze %dma_wait3A_21 : memref<1x84x128xi32, #tpu.memory_space<hbm>> -> memref<84x128xi32, #tpu.memory_space<hbm>>
      %dma_wait3A_23 = arith.constant 0 : i32
      %dma_wait3A_24 = arith.constant 0 : i32
      %dma_wait3A_25 = tpu.memref_slice %arg5[%add3A, %dma_wait3A_23, %dma_wait3A_24] : memref<32x84x128xi32, #tpu.memory_space<hbm>> -> memref<1x84x128xi32, #tpu.memory_space<hbm>>
      %dma_wait3A_26 = tpu.memref_squeeze %dma_wait3A_25 : memref<1x84x128xi32, #tpu.memory_space<hbm>> -> memref<84x128xi32, #tpu.memory_space<hbm>>
      tpu.wait_dma2 semaphore(%run_scoped3A_12 : memref<!tpu.dma_semaphore, #tpu.memory_space<semaphore_mem>>) src(%dma_wait3A_26 : memref<84x128xi32, #tpu.memory_space<hbm>>) dst(%arg10 : memref<84x128xi32, #tpu.memory_space<vmem>>)
      tpu.yield
    }) : () -> ()
    %run_scoped3A = arith.constant 0 : i32
    "tpu.region"() ({
      %run_scoped3A_12 = tpu.sem_alloc : memref<!tpu.dma_semaphore, #tpu.memory_space<semaphore_mem>>
      %dma_start3A = arith.constant 0 : i32
      %dma_start3A_13 = tpu.memref_slice %arg3[%run_scoped3A, %dma_start3A] : memref<8x10240xf32, #tpu.memory_space<hbm>> -> memref<1x10240xf32, #tpu.memory_space<hbm>>
      %dma_start3A_14 = tpu.memref_squeeze %dma_start3A_13 : memref<1x10240xf32, #tpu.memory_space<hbm>> -> memref<10240xf32, #tpu.memory_space<hbm>>
      %dma_start3A_15 = arith.constant 0 : i32
      %dma_start3A_16 = tpu.memref_slice %arg3[%run_scoped3A, %dma_start3A_15] : memref<8x10240xf32, #tpu.memory_space<hbm>> -> memref<1x10240xf32, #tpu.memory_space<hbm>>
      %dma_start3A_17 = tpu.memref_squeeze %dma_start3A_16 : memref<1x10240xf32, #tpu.memory_space<hbm>> -> memref<10240xf32, #tpu.memory_space<hbm>>
      tpu.enqueue_dma source(%dma_start3A_17 : memref<10240xf32, #tpu.memory_space<hbm>>) target(%arg11 : memref<10240xf32, #tpu.memory_space<vmem>>) target_semaphore(%run_scoped3A_12 : memref<!tpu.dma_semaphore, #tpu.memory_space<semaphore_mem>>)
      %dma_wait3A = arith.constant 0 : i32
      %dma_wait3A_18 = tpu.memref_slice %arg3[%run_scoped3A, %dma_wait3A] : memref<8x10240xf32, #tpu.memory_space<hbm>> -> memref<1x10240xf32, #tpu.memory_space<hbm>>
      %dma_wait3A_19 = tpu.memref_squeeze %dma_wait3A_18 : memref<1x10240xf32, #tpu.memory_space<hbm>> -> memref<10240xf32, #tpu.memory_space<hbm>>
      %dma_wait3A_20 = arith.constant 0 : i32
      %dma_wait3A_21 = tpu.memref_slice %arg3[%run_scoped3A, %dma_wait3A_20] : memref<8x10240xf32, #tpu.memory_space<hbm>> -> memref<1x10240xf32, #tpu.memory_space<hbm>>
      %dma_wait3A_22 = tpu.memref_squeeze %dma_wait3A_21 : memref<1x10240xf32, #tpu.memory_space<hbm>> -> memref<10240xf32, #tpu.memory_space<hbm>>
      tpu.wait_dma2 semaphore(%run_scoped3A_12 : memref<!tpu.dma_semaphore, #tpu.memory_space<semaphore_mem>>) src(%dma_wait3A_22 : memref<10240xf32, #tpu.memory_space<hbm>>) dst(%arg11 : memref<10240xf32, #tpu.memory_space<vmem>>)
      tpu.yield
    }) : () -> ()
    %run_scoped3A_3 = arith.constant 1 : i32
    "tpu.region"() ({
      %run_scoped3A_12 = tpu.sem_alloc : memref<!tpu.dma_semaphore, #tpu.memory_space<semaphore_mem>>
      %dma_start3A = arith.constant 0 : i32
      %dma_start3A_13 = tpu.memref_slice %arg3[%run_scoped3A_3, %dma_start3A] : memref<8x10240xf32, #tpu.memory_space<hbm>> -> memref<1x10240xf32, #tpu.memory_space<hbm>>
      %dma_start3A_14 = tpu.memref_squeeze %dma_start3A_13 : memref<1x10240xf32, #tpu.memory_space<hbm>> -> memref<10240xf32, #tpu.memory_space<hbm>>
      %dma_start3A_15 = arith.constant 0 : i32
      %dma_start3A_16 = tpu.memref_slice %arg3[%run_scoped3A_3, %dma_start3A_15] : memref<8x10240xf32, #tpu.memory_space<hbm>> -> memref<1x10240xf32, #tpu.memory_space<hbm>>
      %dma_start3A_17 = tpu.memref_squeeze %dma_start3A_16 : memref<1x10240xf32, #tpu.memory_space<hbm>> -> memref<10240xf32, #tpu.memory_space<hbm>>
      tpu.enqueue_dma source(%dma_start3A_17 : memref<10240xf32, #tpu.memory_space<hbm>>) target(%arg12 : memref<10240xf32, #tpu.memory_space<vmem>>) target_semaphore(%run_scoped3A_12 : memref<!tpu.dma_semaphore, #tpu.memory_space<semaphore_mem>>)
      %dma_wait3A = arith.constant 0 : i32
      %dma_wait3A_18 = tpu.memref_slice %arg3[%run_scoped3A_3, %dma_wait3A] : memref<8x10240xf32, #tpu.memory_space<hbm>> -> memref<1x10240xf32, #tpu.memory_space<hbm>>
      %dma_wait3A_19 = tpu.memref_squeeze %dma_wait3A_18 : memref<1x10240xf32, #tpu.memory_space<hbm>> -> memref<10240xf32, #tpu.memory_space<hbm>>
      %dma_wait3A_20 = arith.constant 0 : i32
      %dma_wait3A_21 = tpu.memref_slice %arg3[%run_scoped3A_3, %dma_wait3A_20] : memref<8x10240xf32, #tpu.memory_space<hbm>> -> memref<1x10240xf32, #tpu.memory_space<hbm>>
      %dma_wait3A_22 = tpu.memref_squeeze %dma_wait3A_21 : memref<1x10240xf32, #tpu.memory_space<hbm>> -> memref<10240xf32, #tpu.memory_space<hbm>>
      tpu.wait_dma2 semaphore(%run_scoped3A_12 : memref<!tpu.dma_semaphore, #tpu.memory_space<semaphore_mem>>) src(%dma_wait3A_22 : memref<10240xf32, #tpu.memory_space<hbm>>) dst(%arg12 : memref<10240xf32, #tpu.memory_space<vmem>>)
      tpu.yield
    }) : () -> ()
    %parallel_loop3A = arith.constant 0 : i32
    %parallel_loop3A_4 = arith.constant 10240 : i32
    %parallel_loop3A_5 = arith.constant 16 : i32
    scf.for %parallel_loop3A_12 = %parallel_loop3A to %parallel_loop3A_4 step %parallel_loop3A_5  : i32 {
      %parallel_loop3A_13 = arith.constant 0.000000e+00 : f32
      %parallel_loop3A_14 = vector.broadcast %parallel_loop3A_13 : f32 to vector<16xf32>
      %parallel_loop3A_15 = arith.index_cast %parallel_loop3A_12 : i32 to index
      %parallel_loop3A_16 = tpu.vector_load %arg15[%parallel_loop3A_15] {strides = array<i32>} : memref<10240xf32, #tpu.memory_space<vmem>>, vector<16xf32>,
      tpu.vector_store %arg15[%parallel_loop3A_15], %parallel_loop3A_14 {strides = array<i32>} : memref<10240xf32, #tpu.memory_space<vmem>>, vector<16xf32>,
    } {sc.loop_unroll_factor = 8 : i64, sc.parallel_access}
    "tpu.region"() ({
      %run_scoped3A_12 = tpu.sem_alloc : memref<!tpu.dma_semaphore, #tpu.memory_space<semaphore_mem>>
      %dma_start3A = arith.constant 0 : i32
      %dma_start3A_13 = tpu.memref_slice %arg16[%mul3A_2, %dma_start3A] : memref<10240x32xf32, #tpu.memory_space<vmem_shared>> -> memref<640x32xf32, #tpu.memory_space<vmem_shared>>
      tpu.enqueue_dma source(%arg6 : memref<640x32xf32, #tpu.memory_space<hbm>>) target(%dma_start3A_13 : memref<640x32xf32, #tpu.memory_space<vmem_shared>>) target_semaphore(%run_scoped3A_12 : memref<!tpu.dma_semaphore, #tpu.memory_space<semaphore_mem>>)
      %dma_wait3A = arith.constant 0 : i32
      %dma_wait3A_14 = tpu.memref_slice %arg16[%mul3A_2, %dma_wait3A] : memref<10240x32xf32, #tpu.memory_space<vmem_shared>> -> memref<640x32xf32, #tpu.memory_space<vmem_shared>>
      tpu.wait_dma2 semaphore(%run_scoped3A_12 : memref<!tpu.dma_semaphore, #tpu.memory_space<semaphore_mem>>) src(%arg6 : memref<640x32xf32, #tpu.memory_space<hbm>>) dst(%dma_wait3A_14 : memref<640x32xf32, #tpu.memory_space<vmem_shared>>)
      tpu.yield
    }) : () -> ()
    "tpu.region"() ({
      %run_scoped3A_12 = tpu.sem_alloc : memref<!tpu.dma_semaphore, #tpu.memory_space<semaphore_mem>>
      %dma_start3A = arith.constant 0 : i32
      %dma_start3A_13 = tpu.memref_slice %arg17[%mul3A_2, %dma_start3A] : memref<10240x32xf32, #tpu.memory_space<vmem_shared>> -> memref<640x32xf32, #tpu.memory_space<vmem_shared>>
      %dma_start3A_14 = arith.constant 0 : i32
      %dma_start3A_15 = tpu.memref_slice %arg2[%mul3A_2, %dma_start3A_14] : memref<10240x32xf32, #tpu.memory_space<hbm>> -> memref<640x32xf32, #tpu.memory_space<hbm>>
      tpu.enqueue_dma source(%dma_start3A_15 : memref<640x32xf32, #tpu.memory_space<hbm>>) target(%dma_start3A_13 : memref<640x32xf32, #tpu.memory_space<vmem_shared>>) target_semaphore(%run_scoped3A_12 : memref<!tpu.dma_semaphore, #tpu.memory_space<semaphore_mem>>)
      %dma_wait3A = arith.constant 0 : i32
      %dma_wait3A_16 = tpu.memref_slice %arg17[%mul3A_2, %dma_wait3A] : memref<10240x32xf32, #tpu.memory_space<vmem_shared>> -> memref<640x32xf32, #tpu.memory_space<vmem_shared>>
      %dma_wait3A_17 = arith.constant 0 : i32
      %dma_wait3A_18 = tpu.memref_slice %arg2[%mul3A_2, %dma_wait3A_17] : memref<10240x32xf32, #tpu.memory_space<hbm>> -> memref<640x32xf32, #tpu.memory_space<hbm>>
      tpu.wait_dma2 semaphore(%run_scoped3A_12 : memref<!tpu.dma_semaphore, #tpu.memory_space<semaphore_mem>>) src(%dma_wait3A_18 : memref<640x32xf32, #tpu.memory_space<hbm>>) dst(%dma_wait3A_16 : memref<640x32xf32, #tpu.memory_space<vmem_shared>>)
      tpu.yield
    }) : () -> ()
    %barrier3A = arith.constant 0 : index
    tpu.barrier barrier_id(%barrier3A)
    %scan3A = arith.constant 0 : i32
    %scan3A_6 = arith.constant 0 : i32
    %scan3A_7 = arith.constant 82 : i32
    %scan3A_8 = arith.addi %scan3A_6, %scan3A_7 : i32
    %scan3A_9 = arith.constant 1 : i32
    scf.for %scan3A_12 = %scan3A_6 to %scan3A_8 step %scan3A_9  : i32 {
      %dma_start3A = arith.constant 0 : i32
      %dma_start3A_13 = tpu.memref_slice %arg9[%scan3A_12, %dma_start3A] : memref<84x128xi32, #tpu.memory_space<vmem>> -> memref<1x128xi32, #tpu.memory_space<vmem>>
      %dma_start3A_14 = tpu.memref_squeeze %dma_start3A_13 : memref<1x128xi32, #tpu.memory_space<vmem>> -> memref<128xi32, #tpu.memory_space<vmem>>
      %dma_start3A_15 = arith.constant 0 : i32
      %dma_start3A_16 = arith.constant 0 : i32
      %dma_start3A_17 = tpu.memref_slice %arg17[%dma_start3A_15, %dma_start3A_16] : memref<10240x32xf32, #tpu.memory_space<vmem_shared>> -> memref<10240x32xf32, #tpu.memory_space<vmem_shared>>
      tpu.enqueue_indirect_dma source(%dma_start3A_17 : memref<10240x32xf32, #tpu.memory_space<vmem_shared>>) target(%arg13 : memref<128x32xf32, #tpu.memory_space<vmem>>) offsets(%dma_start3A_14 : memref<128xi32, #tpu.memory_space<vmem>>) semaphore(%arg18 : memref<!tpu.dma_semaphore, #tpu.memory_space<semaphore_mem>>)
      %parallel_loop3A_18 = arith.constant 0 : i32
      %parallel_loop3A_19 = arith.constant 128 : i32
      %parallel_loop3A_20 = arith.constant 16 : i32
      scf.for %parallel_loop3A_68 = %parallel_loop3A_18 to %parallel_loop3A_19 step %parallel_loop3A_20  : i32 {
        %parallel_loop3A_69 = arith.index_cast %scan3A_12 : i32 to index
        %parallel_loop3A_70 = arith.index_cast %parallel_loop3A_68 : i32 to index
        %parallel_loop3A_71 = tpu.vector_load %arg9[%parallel_loop3A_69, %parallel_loop3A_70] {strides = array<i32>} : memref<84x128xi32, #tpu.memory_space<vmem>>, vector<16xi32>,
        %parallel_loop3A_72 = arith.index_cast %scan3A_12 : i32 to index
        %parallel_loop3A_73 = arith.index_cast %parallel_loop3A_68 : i32 to index
        %parallel_loop3A_74 = tpu.vector_load %arg10[%parallel_loop3A_72, %parallel_loop3A_73] {strides = array<i32>} : memref<84x128xi32, #tpu.memory_space<vmem>>, vector<16xi32>,
        %parallel_loop3A_75 = tpu.vector_load_idx %arg11[%parallel_loop3A_71] : memref<10240xf32, #tpu.memory_space<vmem>>[vector<16xi32>], vector<16xf32>,
        %parallel_loop3A_76 = tpu.vector_load_idx %arg12[%parallel_loop3A_74] : memref<10240xf32, #tpu.memory_space<vmem>>[vector<16xi32>], vector<16xf32>,
        %parallel_loop3A_77 = arith.addf %parallel_loop3A_75, %parallel_loop3A_76 : vector<16xf32>
        %parallel_loop3A_78 = arith.constant 2.000000e-01 : f32
        %parallel_loop3A_79 = vector.broadcast %parallel_loop3A_78 : f32 to vector<16xf32>
        %parallel_loop3A_80 = arith.mulf %parallel_loop3A_79, %parallel_loop3A_77 : vector<16xf32>
        %parallel_loop3A_81 = arith.maximumf %parallel_loop3A_77, %parallel_loop3A_80 : vector<16xf32>
        %parallel_loop3A_82 = math.exp %parallel_loop3A_81 : vector<16xf32>
        %parallel_loop3A_83 = arith.constant 16 : i32
        %parallel_loop3A_84 = arith.addi %parallel_loop3A_83, %parallel_loop3A_68 : i32
        %parallel_loop3A_85 = arith.index_cast %parallel_loop3A_84 : i32 to index
        %parallel_loop3A_86 = tpu.vector_load %arg14[%parallel_loop3A_85] {strides = array<i32>} : memref<144xf32, #tpu.memory_space<vmem>>, vector<16xf32>,
        tpu.vector_store %arg14[%parallel_loop3A_85], %parallel_loop3A_82 {strides = array<i32>} : memref<144xf32, #tpu.memory_space<vmem>>, vector<16xf32>,
      } {sc.loop_unroll_factor = 8 : i64, sc.parallel_access}
      %get3A = arith.index_cast %scan3A_12 : i32 to index
      %get3A_21 = arith.constant 0 : index
      %get3A_22 = tpu.vector_load %arg10[%get3A, %get3A_21] {strides = array<i32>} : memref<84x128xi32, #tpu.memory_space<vmem>>, vector<16xi32>,
      %get3A_23 = arith.constant 16 : index
      %get3A_24 = tpu.vector_load %arg14[%get3A_23] {strides = array<i32>} : memref<144xf32, #tpu.memory_space<vmem>>, vector<16xf32>,
      tpu.vector_store_idx %arg15[%get3A_22], %get3A_24 {add = true} : memref<10240xf32, #tpu.memory_space<vmem>>[vector<16xi32>], vector<16xf32>,
      %get3A_25 = arith.index_cast %scan3A_12 : i32 to index
      %get3A_26 = arith.constant 16 : index
      %get3A_27 = tpu.vector_load %arg10[%get3A_25, %get3A_26] {strides = array<i32>} : memref<84x128xi32, #tpu.memory_space<vmem>>, vector<16xi32>,
      %get3A_28 = arith.constant 32 : index
      %get3A_29 = tpu.vector_load %arg14[%get3A_28] {strides = array<i32>} : memref<144xf32, #tpu.memory_space<vmem>>, vector<16xf32>,
      tpu.vector_store_idx %arg15[%get3A_27], %get3A_29 {add = true} : memref<10240xf32, #tpu.memory_space<vmem>>[vector<16xi32>], vector<16xf32>,
      %get3A_30 = arith.index_cast %scan3A_12 : i32 to index
      %get3A_31 = arith.constant 32 : index
      %get3A_32 = tpu.vector_load %arg10[%get3A_30, %get3A_31] {strides = array<i32>} : memref<84x128xi32, #tpu.memory_space<vmem>>, vector<16xi32>,
      %get3A_33 = arith.constant 48 : index
      %get3A_34 = tpu.vector_load %arg14[%get3A_33] {strides = array<i32>} : memref<144xf32, #tpu.memory_space<vmem>>, vector<16xf32>,
      tpu.vector_store_idx %arg15[%get3A_32], %get3A_34 {add = true} : memref<10240xf32, #tpu.memory_space<vmem>>[vector<16xi32>], vector<16xf32>,
      %get3A_35 = arith.index_cast %scan3A_12 : i32 to index
      %get3A_36 = arith.constant 48 : index
      %get3A_37 = tpu.vector_load %arg10[%get3A_35, %get3A_36] {strides = array<i32>} : memref<84x128xi32, #tpu.memory_space<vmem>>, vector<16xi32>,
      %get3A_38 = arith.constant 64 : index
      %get3A_39 = tpu.vector_load %arg14[%get3A_38] {strides = array<i32>} : memref<144xf32, #tpu.memory_space<vmem>>, vector<16xf32>,
      tpu.vector_store_idx %arg15[%get3A_37], %get3A_39 {add = true} : memref<10240xf32, #tpu.memory_space<vmem>>[vector<16xi32>], vector<16xf32>,
      %get3A_40 = arith.index_cast %scan3A_12 : i32 to index
      %get3A_41 = arith.constant 64 : index
      %get3A_42 = tpu.vector_load %arg10[%get3A_40, %get3A_41] {strides = array<i32>} : memref<84x128xi32, #tpu.memory_space<vmem>>, vector<16xi32>,
      %get3A_43 = arith.constant 80 : index
      %get3A_44 = tpu.vector_load %arg14[%get3A_43] {strides = array<i32>} : memref<144xf32, #tpu.memory_space<vmem>>, vector<16xf32>,
      tpu.vector_store_idx %arg15[%get3A_42], %get3A_44 {add = true} : memref<10240xf32, #tpu.memory_space<vmem>>[vector<16xi32>], vector<16xf32>,
      %get3A_45 = arith.index_cast %scan3A_12 : i32 to index
      %get3A_46 = arith.constant 80 : index
      %get3A_47 = tpu.vector_load %arg10[%get3A_45, %get3A_46] {strides = array<i32>} : memref<84x128xi32, #tpu.memory_space<vmem>>, vector<16xi32>,
      %get3A_48 = arith.constant 96 : index
      %get3A_49 = tpu.vector_load %arg14[%get3A_48] {strides = array<i32>} : memref<144xf32, #tpu.memory_space<vmem>>, vector<16xf32>,
      tpu.vector_store_idx %arg15[%get3A_47], %get3A_49 {add = true} : memref<10240xf32, #tpu.memory_space<vmem>>[vector<16xi32>], vector<16xf32>,
      %get3A_50 = arith.index_cast %scan3A_12 : i32 to index
      %get3A_51 = arith.constant 96 : index
      %get3A_52 = tpu.vector_load %arg10[%get3A_50, %get3A_51] {strides = array<i32>} : memref<84x128xi32, #tpu.memory_space<vmem>>, vector<16xi32>,
      %get3A_53 = arith.constant 112 : index
      %get3A_54 = tpu.vector_load %arg14[%get3A_53] {strides = array<i32>} : memref<144xf32, #tpu.memory_space<vmem>>, vector<16xf32>,
      tpu.vector_store_idx %arg15[%get3A_52], %get3A_54 {add = true} : memref<10240xf32, #tpu.memory_space<vmem>>[vector<16xi32>], vector<16xf32>,
      %get3A_55 = arith.index_cast %scan3A_12 : i32 to index
      %get3A_56 = arith.constant 112 : index
      %get3A_57 = tpu.vector_load %arg10[%get3A_55, %get3A_56] {strides = array<i32>} : memref<84x128xi32, #tpu.memory_space<vmem>>, vector<16xi32>,
      %get3A_58 = arith.constant 128 : index
      %get3A_59 = tpu.vector_load %arg14[%get3A_58] {strides = array<i32>} : memref<144xf32, #tpu.memory_space<vmem>>, vector<16xf32>,
      tpu.vector_store_idx %arg15[%get3A_57], %get3A_59 {add = true} : memref<10240xf32, #tpu.memory_space<vmem>>[vector<16xi32>], vector<16xf32>,
      %dma_wait3A = arith.constant 0 : i32
      %dma_wait3A_60 = tpu.memref_slice %arg9[%scan3A_12, %dma_wait3A] : memref<84x128xi32, #tpu.memory_space<vmem>> -> memref<1x128xi32, #tpu.memory_space<vmem>>
      %dma_wait3A_61 = tpu.memref_squeeze %dma_wait3A_60 : memref<1x128xi32, #tpu.memory_space<vmem>> -> memref<128xi32, #tpu.memory_space<vmem>>
      %dma_wait3A_62 = arith.constant 0 : i32
      %dma_wait3A_63 = arith.constant 0 : i32
      %dma_wait3A_64 = tpu.memref_slice %arg17[%dma_wait3A_62, %dma_wait3A_63] : memref<10240x32xf32, #tpu.memory_space<vmem_shared>> -> memref<10240x32xf32, #tpu.memory_space<vmem_shared>>
      tpu.wait_indirect_dma semaphore(%arg18 : memref<!tpu.dma_semaphore, #tpu.memory_space<semaphore_mem>>) src(%dma_wait3A_64 : memref<10240x32xf32, #tpu.memory_space<vmem_shared>>) dst(%arg13 : memref<128x32xf32, #tpu.memory_space<vmem>>)
      %parallel_loop3A_65 = arith.constant 0 : i32
      %parallel_loop3A_66 = arith.constant 128 : i32
      %parallel_loop3A_67 = arith.constant 1 : i32
      scf.for %parallel_loop3A_68 = %parallel_loop3A_65 to %parallel_loop3A_66 step %parallel_loop3A_67  : i32 {
        %parallel_loop3A_69 = arith.constant 16 : i32
        %parallel_loop3A_70 = vector.broadcast %parallel_loop3A_69 : i32 to vector<16xi32>
        %parallel_loop3A_71 = vector.broadcast %parallel_loop3A_68 : i32 to vector<16xi32>
        %parallel_loop3A_72 = arith.addi %parallel_loop3A_70, %parallel_loop3A_71 : vector<16xi32>
        %parallel_loop3A_73 = tpu.vector_load_idx %arg14[%parallel_loop3A_72] : memref<144xf32, #tpu.memory_space<vmem>>[vector<16xi32>], vector<16xf32>,
        %parallel_loop3A_74 = arith.index_cast %parallel_loop3A_68 : i32 to index
        %parallel_loop3A_75 = arith.constant 0 : index
        %parallel_loop3A_76 = tpu.vector_load %arg13[%parallel_loop3A_74, %parallel_loop3A_75] {strides = array<i32>} : memref<128x32xf32, #tpu.memory_space<vmem>>, vector<16xf32>,
        %parallel_loop3A_77 = arith.mulf %parallel_loop3A_76, %parallel_loop3A_73 : vector<16xf32>
        %parallel_loop3A_78 = arith.index_cast %parallel_loop3A_68 : i32 to index
        %parallel_loop3A_79 = arith.constant 0 : index
        %parallel_loop3A_80 = tpu.vector_load %arg13[%parallel_loop3A_78, %parallel_loop3A_79] {strides = array<i32>} : memref<128x32xf32, #tpu.memory_space<vmem>>, vector<16xf32>,
        tpu.vector_store %arg13[%parallel_loop3A_78, %parallel_loop3A_79], %parallel_loop3A_77 {strides = array<i32>} : memref<128x32xf32, #tpu.memory_space<vmem>>, vector<16xf32>,
        %parallel_loop3A_81 = arith.index_cast %parallel_loop3A_68 : i32 to index
        %parallel_loop3A_82 = arith.constant 16 : index
        %parallel_loop3A_83 = tpu.vector_load %arg13[%parallel_loop3A_81, %parallel_loop3A_82] {strides = array<i32>} : memref<128x32xf32, #tpu.memory_space<vmem>>, vector<16xf32>,
        %parallel_loop3A_84 = arith.mulf %parallel_loop3A_83, %parallel_loop3A_73 : vector<16xf32>
        %parallel_loop3A_85 = arith.index_cast %parallel_loop3A_68 : i32 to index
        %parallel_loop3A_86 = arith.constant 16 : index
        %parallel_loop3A_87 = tpu.vector_load %arg13[%parallel_loop3A_85, %parallel_loop3A_86] {strides = array<i32>} : memref<128x32xf32, #tpu.memory_space<vmem>>, vector<16xf32>,
        tpu.vector_store %arg13[%parallel_loop3A_85, %parallel_loop3A_86], %parallel_loop3A_84 {strides = array<i32>} : memref<128x32xf32, #tpu.memory_space<vmem>>, vector<16xf32>,
      } {sc.loop_unroll_factor = 16 : i64, sc.parallel_access}
      "tpu.region"() ({
        %run_scoped3A_68 = tpu.sem_alloc : memref<!tpu.dma_semaphore, #tpu.memory_space<semaphore_mem>>
        %dma_start3A_69 = arith.constant 0 : i32
        %dma_start3A_70 = tpu.memref_slice %arg10[%scan3A_12, %dma_start3A_69] : memref<84x128xi32, #tpu.memory_space<vmem>> -> memref<1x128xi32, #tpu.memory_space<vmem>>
        %dma_start3A_71 = tpu.memref_squeeze %dma_start3A_70 : memref<1x128xi32, #tpu.memory_space<vmem>> -> memref<128xi32, #tpu.memory_space<vmem>>
        %dma_start3A_72 = arith.constant 0 : i32
        %dma_start3A_73 = arith.constant 0 : i32
        %dma_start3A_74 = tpu.memref_slice %arg16[%dma_start3A_72, %dma_start3A_73] : memref<10240x32xf32, #tpu.memory_space<vmem_shared>> -> memref<10240x32xf32, #tpu.memory_space<vmem_shared>>
        tpu.enqueue_indirect_dma source(%arg13 : memref<128x32xf32, #tpu.memory_space<vmem>>) target(%dma_start3A_74 : memref<10240x32xf32, #tpu.memory_space<vmem_shared>>) offsets(%dma_start3A_71 : memref<128xi32, #tpu.memory_space<vmem>>) semaphore(%run_scoped3A_68 : memref<!tpu.dma_semaphore, #tpu.memory_space<semaphore_mem>>) {add = true}
        %dma_wait3A_75 = arith.constant 0 : i32
        %dma_wait3A_76 = tpu.memref_slice %arg10[%scan3A_12, %dma_wait3A_75] : memref<84x128xi32, #tpu.memory_space<vmem>> -> memref<1x128xi32, #tpu.memory_space<vmem>>
        %dma_wait3A_77 = tpu.memref_squeeze %dma_wait3A_76 : memref<1x128xi32, #tpu.memory_space<vmem>> -> memref<128xi32, #tpu.memory_space<vmem>>
        %dma_wait3A_78 = arith.constant 0 : i32
        %dma_wait3A_79 = arith.constant 0 : i32
        %dma_wait3A_80 = tpu.memref_slice %arg16[%dma_wait3A_78, %dma_wait3A_79] : memref<10240x32xf32, #tpu.memory_space<vmem_shared>> -> memref<10240x32xf32, #tpu.memory_space<vmem_shared>>
        tpu.wait_indirect_dma semaphore(%run_scoped3A_68 : memref<!tpu.dma_semaphore, #tpu.memory_space<semaphore_mem>>) src(%arg13 : memref<128x32xf32, #tpu.memory_space<vmem>>) dst(%dma_wait3A_80 : memref<10240x32xf32, #tpu.memory_space<vmem_shared>>)
        tpu.yield
      }) : () -> ()
    }
    %scan3A_10 = arith.constant 82 : i32
    "tpu.region"() ({
      %run_scoped3A_12 = tpu.sem_alloc : memref<!tpu.dma_semaphore, #tpu.memory_space<semaphore_mem>>
      %dma_start3A = arith.constant 0 : i32
      %dma_start3A_13 = tpu.memref_slice %arg8[%arg0, %arg1, %dma_start3A] : memref<2x16x10240xf32, #tpu.memory_space<hbm>> -> memref<1x1x10240xf32, #tpu.memory_space<hbm>>
      %dma_start3A_14 = tpu.memref_squeeze %dma_start3A_13 : memref<1x1x10240xf32, #tpu.memory_space<hbm>> -> memref<10240xf32, #tpu.memory_space<hbm>>
      %dma_start3A_15 = arith.constant 0 : i32
      %dma_start3A_16 = tpu.memref_slice %arg8[%arg0, %arg1, %dma_start3A_15] : memref<2x16x10240xf32, #tpu.memory_space<hbm>> -> memref<1x1x10240xf32, #tpu.memory_space<hbm>>
      %dma_start3A_17 = tpu.memref_squeeze %dma_start3A_16 : memref<1x1x10240xf32, #tpu.memory_space<hbm>> -> memref<10240xf32, #tpu.memory_space<hbm>>
      tpu.enqueue_dma source(%arg15 : memref<10240xf32, #tpu.memory_space<vmem>>) target(%dma_start3A_17 : memref<10240xf32, #tpu.memory_space<hbm>>) target_semaphore(%run_scoped3A_12 : memref<!tpu.dma_semaphore, #tpu.memory_space<semaphore_mem>>)
      %dma_wait3A = arith.constant 0 : i32
      %dma_wait3A_18 = tpu.memref_slice %arg8[%arg0, %arg1, %dma_wait3A] : memref<2x16x10240xf32, #tpu.memory_space<hbm>> -> memref<1x1x10240xf32, #tpu.memory_space<hbm>>
      %dma_wait3A_19 = tpu.memref_squeeze %dma_wait3A_18 : memref<1x1x10240xf32, #tpu.memory_space<hbm>> -> memref<10240xf32, #tpu.memory_space<hbm>>
      %dma_wait3A_20 = arith.constant 0 : i32
      %dma_wait3A_21 = tpu.memref_slice %arg8[%arg0, %arg1, %dma_wait3A_20] : memref<2x16x10240xf32, #tpu.memory_space<hbm>> -> memref<1x1x10240xf32, #tpu.memory_space<hbm>>
      %dma_wait3A_22 = tpu.memref_squeeze %dma_wait3A_21 : memref<1x1x10240xf32, #tpu.memory_space<hbm>> -> memref<10240xf32, #tpu.memory_space<hbm>>
      tpu.wait_dma2 semaphore(%run_scoped3A_12 : memref<!tpu.dma_semaphore, #tpu.memory_space<semaphore_mem>>) src(%arg15 : memref<10240xf32, #tpu.memory_space<vmem>>) dst(%dma_wait3A_22 : memref<10240xf32, #tpu.memory_space<hbm>>)
      tpu.yield
    }) : () -> ()
    %barrier3A_11 = arith.constant 0 : index
    tpu.barrier barrier_id(%barrier3A_11)
    "tpu.region"() ({
      %run_scoped3A_12 = tpu.sem_alloc : memref<!tpu.dma_semaphore, #tpu.memory_space<semaphore_mem>>
      %dma_start3A = arith.constant 0 : i32
      %dma_start3A_13 = tpu.memref_slice %arg7[%arg0, %mul3A_2, %dma_start3A] : memref<2x10240x32xf32, #tpu.memory_space<hbm>> -> memref<1x640x32xf32, #tpu.memory_space<hbm>>
      %dma_start3A_14 = tpu.memref_squeeze %dma_start3A_13 : memref<1x640x32xf32, #tpu.memory_space<hbm>> -> memref<640x32xf32, #tpu.memory_space<hbm>>
      %dma_start3A_15 = arith.constant 0 : i32
      %dma_start3A_16 = tpu.memref_slice %arg16[%mul3A_2, %dma_start3A_15] : memref<10240x32xf32, #tpu.memory_space<vmem_shared>> -> memref<640x32xf32, #tpu.memory_space<vmem_shared>>
      tpu.enqueue_dma source(%dma_start3A_16 : memref<640x32xf32, #tpu.memory_space<vmem_shared>>) target(%dma_start3A_14 : memref<640x32xf32, #tpu.memory_space<hbm>>) target_semaphore(%run_scoped3A_12 : memref<!tpu.dma_semaphore, #tpu.memory_space<semaphore_mem>>)
      %dma_wait3A = arith.constant 0 : i32
      %dma_wait3A_17 = tpu.memref_slice %arg7[%arg0, %mul3A_2, %dma_wait3A] : memref<2x10240x32xf32, #tpu.memory_space<hbm>> -> memref<1x640x32xf32, #tpu.memory_space<hbm>>
      %dma_wait3A_18 = tpu.memref_squeeze %dma_wait3A_17 : memref<1x640x32xf32, #tpu.memory_space<hbm>> -> memref<640x32xf32, #tpu.memory_space<hbm>>
      %dma_wait3A_19 = arith.constant 0 : i32
      %dma_wait3A_20 = tpu.memref_slice %arg16[%mul3A_2, %dma_wait3A_19] : memref<10240x32xf32, #tpu.memory_space<vmem_shared>> -> memref<640x32xf32, #tpu.memory_space<vmem_shared>>
      tpu.wait_dma2 semaphore(%run_scoped3A_12 : memref<!tpu.dma_semaphore, #tpu.memory_space<semaphore_mem>>) src(%dma_wait3A_20 : memref<640x32xf32, #tpu.memory_space<vmem_shared>>) dst(%dma_wait3A_18 : memref<640x32xf32, #tpu.memory_space<hbm>>)
      tpu.yield
    }) : () -> ()
    return
  }
}

module attributes {stable_mosaic.version = 14 : i64} {
  func.func @_tc_first_body(%arg0: i32, %arg1: memref<512x128xf32, #tpu.memory_space<vmem>>, %arg2: memref<128x32xf32, #tpu.memory_space<vmem>>, %arg3: memref<8x128xf32, #tpu.memory_space<vmem>>, %arg4: memref<512x32xf32, #tpu.memory_space<vmem>>, %arg5: memref<8x512xf32, #tpu.memory_space<vmem>>) attributes {dimension_semantics = [#tpu.dimension_semantics<arbitrary>], iteration_bounds = array<i64: 20>, scalar_prefetch = 0 : i64, scratch_operands = 0 : i64, tpu.core_type = #tpu.core_type<tc>, window_params = [{transform_indices = @transform_0, window_bounds = array<i64: 512, 128>}, {pipeline_mode = #tpu.pipeline_mode<synchronous>, transform_indices = @transform_1, window_bounds = array<i64: 128, 32>}, {pipeline_mode = #tpu.pipeline_mode<synchronous>, transform_indices = @transform_2, window_bounds = array<i64: 8, 128>}, {transform_indices = @transform_3, window_bounds = array<i64: 512, 32>}, {transform_indices = @transform_4, window_bounds = array<i64: 8, 512>}]} {
    %get3A = arith.constant 0 : index
    %get3A_0 = arith.constant 0 : index
    %get3A_1 = vector.load %arg1[%get3A, %get3A_0] : memref<512x128xf32, #tpu.memory_space<vmem>>, vector<512x128xf32>
    %get3A_2 = arith.constant 0 : index
    %get3A_3 = arith.constant 0 : index
    %get3A_4 = vector.load %arg2[%get3A_2, %get3A_3] : memref<128x32xf32, #tpu.memory_space<vmem>>, vector<128x32xf32>
    %dot_general3A = arith.constant dense<0.000000e+00> : vector<512x32xf32>
    %dot_general3A_5 = tpu.matmul %get3A_1, %get3A_4, %dot_general3A {dimension_numbers = #tpu.dot_dimension_numbers<[1], [0], [0], [1], [0, 0, 1, 1], [], []>, precision = #tpu.contract_precision<fp32>, transpose_lhs_hint = false} : vector<512x128xf32>, vector<128x32xf32>, vector<512x32xf32> -> vector<512x32xf32>
    %swap3A = arith.constant 0 : index
    %swap3A_6 = arith.constant 0 : index
    %swap3A_7 = vector.load %arg4[%swap3A, %swap3A_6] : memref<512x32xf32, #tpu.memory_space<vmem>>, vector<512x32xf32>
    tpu.vector_store %arg4[%swap3A, %swap3A_6], %dot_general3A_5 {strides = array<i32>} : memref<512x32xf32, #tpu.memory_space<vmem>>, vector<512x32xf32>,
    %get3A_8 = arith.constant 0 : index
    %get3A_9 = arith.constant 0 : index
    %get3A_10 = vector.load %arg3[%get3A_8, %get3A_9] : memref<8x128xf32, #tpu.memory_space<vmem>>, vector<8x128xf32>
    %dot_general3A_11 = arith.constant dense<0.000000e+00> : vector<8x512xf32>
    %dot_general3A_12 = tpu.matmul %get3A_10, %get3A_1, %dot_general3A_11 {dimension_numbers = #tpu.dot_dimension_numbers<[1], [1], [0], [0], [0, 0, 1, 0], [], []>, precision = #tpu.contract_precision<fp32>, transpose_lhs_hint = false} : vector<8x128xf32>, vector<512x128xf32>, vector<8x512xf32> -> vector<8x512xf32>
    %swap3A_13 = arith.constant 0 : index
    %swap3A_14 = arith.constant 0 : index
    %swap3A_15 = vector.load %arg5[%swap3A_13, %swap3A_14] : memref<8x512xf32, #tpu.memory_space<vmem>>, vector<8x512xf32>
    tpu.vector_store %arg5[%swap3A_13, %swap3A_14], %dot_general3A_12 {strides = array<i32>} : memref<8x512xf32, #tpu.memory_space<vmem>>, vector<8x512xf32>,
    return
  }
  func.func @transform_0(%arg0: i32) -> (i32, i32) {
    %c0_i32 = arith.constant 0 : i32
    %c0_i32_0 = arith.constant 0 : i32
    return %arg0, %c0_i32 : i32, i32
  }
  func.func @transform_1(%arg0: i32) -> (i32, i32) {
    %c0_i32 = arith.constant 0 : i32
    %c0_i32_0 = arith.constant 0 : i32
    %c0_i32_1 = arith.constant 0 : i32
    return %c0_i32, %c0_i32_0 : i32, i32
  }
  func.func @transform_2(%arg0: i32) -> (i32, i32) {
    %c0_i32 = arith.constant 0 : i32
    %c0_i32_0 = arith.constant 0 : i32
    %c0_i32_1 = arith.constant 0 : i32
    return %c0_i32, %c0_i32_0 : i32, i32
  }
  func.func @transform_3(%arg0: i32) -> (i32, i32) {
    %c0_i32 = arith.constant 0 : i32
    %c0_i32_0 = arith.constant 0 : i32
    return %arg0, %c0_i32 : i32, i32
  }
  func.func @transform_4(%arg0: i32) -> (i32, i32) {
    %c0_i32 = arith.constant 0 : i32
    %c0_i32_0 = arith.constant 0 : i32
    return %c0_i32, %arg0 : i32, i32
  }
}

module attributes {stable_mosaic.version = 14 : i64} {
  func.func @_tc_mid_body(%arg0: i32, %arg1: memref<2x512x32xf32, #tpu.memory_space<vmem>>, %arg2: memref<2x16x512xf32, #tpu.memory_space<vmem>>, %arg3: memref<1x32xf32, #tpu.memory_space<vmem>>, %arg4: memref<32x32xf32, #tpu.memory_space<vmem>>, %arg5: memref<8x32xf32, #tpu.memory_space<vmem>>, %arg6: memref<512x32xf32, #tpu.memory_space<vmem>>, %arg7: memref<8x512xf32, #tpu.memory_space<vmem>>) attributes {dimension_semantics = [#tpu.dimension_semantics<arbitrary>], iteration_bounds = array<i64: 20>, scalar_prefetch = 0 : i64, scratch_operands = 0 : i64, tpu.core_type = #tpu.core_type<tc>, window_params = [{transform_indices = @transform_0, window_bounds = array<i64: 2, 512, 32>}, {transform_indices = @transform_1, window_bounds = array<i64: 2, 16, 512>}, {pipeline_mode = #tpu.pipeline_mode<synchronous>, transform_indices = @transform_2, window_bounds = array<i64: 1, 32>}, {pipeline_mode = #tpu.pipeline_mode<synchronous>, transform_indices = @transform_3, window_bounds = array<i64: 32, 32>}, {pipeline_mode = #tpu.pipeline_mode<synchronous>, transform_indices = @transform_4, window_bounds = array<i64: 8, 32>}, {transform_indices = @transform_5, window_bounds = array<i64: 512, 32>}, {transform_indices = @transform_6, window_bounds = array<i64: 8, 512>}]} {
    %get3A = arith.constant 0 : index
    %get3A_0 = arith.constant 0 : index
    %get3A_1 = arith.constant 0 : index
    %get3A_2 = vector.load %arg1[%get3A, %get3A_0, %get3A_1] : memref<2x512x32xf32, #tpu.memory_space<vmem>>, vector<2x512x32xf32>
    %slice3A = vector.extract_strided_slice %get3A_2 {offsets = [0, 0, 0], sizes = [1, 512, 32], strides = [1, 1, 1]} : vector<2x512x32xf32> to vector<1x512x32xf32>
    %squeeze3A = vector.shape_cast %slice3A : vector<1x512x32xf32> to vector<512x32xf32>
    %slice3A_3 = vector.extract_strided_slice %get3A_2 {offsets = [1, 0, 0], sizes = [1, 512, 32], strides = [1, 1, 1]} : vector<2x512x32xf32> to vector<1x512x32xf32>
    %squeeze3A_4 = vector.shape_cast %slice3A_3 : vector<1x512x32xf32> to vector<512x32xf32>
    %add3A = arith.addf %squeeze3A, %squeeze3A_4 : vector<512x32xf32>
    %get3A_5 = arith.constant 0 : index
    %get3A_6 = arith.constant 0 : index
    %get3A_7 = arith.constant 0 : index
    %get3A_8 = vector.load %arg2[%get3A_5, %get3A_6, %get3A_7] : memref<2x16x512xf32, #tpu.memory_space<vmem>>, vector<2x16x512xf32>
    %reduce_sum3A = arith.constant dense<0.000000e+00> : vector<512xf32>
    %reduce_sum3A_9 = vector.multi_reduction <add>, %get3A_8, %reduce_sum3A [0, 1] : vector<2x16x512xf32> to vector<512xf32>
    %reshape3A = vector.shape_cast %reduce_sum3A_9 : vector<512xf32> to vector<512x1xf32>
    %add3A_10 = arith.constant 1.000000e-16 : f32
    %add3A_11 = vector.broadcast %add3A_10 : f32 to vector<512x1xf32>
    %add3A_12 = arith.addf %reshape3A, %add3A_11 : vector<512x1xf32>
    %div3A = vector.broadcast %add3A_12 : vector<512x1xf32> to vector<512x32xf32>
    %div3A_13 = arith.divf %add3A, %div3A : vector<512x32xf32>
    %get3A_14 = arith.constant 0 : index
    %get3A_15 = arith.constant 0 : index
    %get3A_16 = vector.load %arg3[%get3A_14, %get3A_15] : memref<1x32xf32, #tpu.memory_space<vmem>>, vector<1x32xf32>
    %add3A_17 = vector.broadcast %get3A_16 : vector<1x32xf32> to vector<512x32xf32>
    %add3A_18 = arith.addf %div3A_13, %add3A_17 : vector<512x32xf32>
    %max3A = arith.constant 0.000000e+00 : f32
    %max3A_19 = vector.broadcast %max3A : f32 to vector<512x32xf32>
    %max3A_20 = arith.maximumf %add3A_18, %max3A_19 : vector<512x32xf32>
    %get3A_21 = arith.constant 0 : index
    %get3A_22 = arith.constant 0 : index
    %get3A_23 = vector.load %arg4[%get3A_21, %get3A_22] : memref<32x32xf32, #tpu.memory_space<vmem>>, vector<32x32xf32>
    %dot_general3A = arith.constant dense<0.000000e+00> : vector<512x32xf32>
    %dot_general3A_24 = tpu.matmul %max3A_20, %get3A_23, %dot_general3A {dimension_numbers = #tpu.dot_dimension_numbers<[1], [0], [0], [1], [0, 0, 1, 1], [], []>, precision = #tpu.contract_precision<fp32>, transpose_lhs_hint = false} : vector<512x32xf32>, vector<32x32xf32>, vector<512x32xf32> -> vector<512x32xf32>
    %swap3A = arith.constant 0 : index
    %swap3A_25 = arith.constant 0 : index
    %swap3A_26 = vector.load %arg6[%swap3A, %swap3A_25] : memref<512x32xf32, #tpu.memory_space<vmem>>, vector<512x32xf32>
    tpu.vector_store %arg6[%swap3A, %swap3A_25], %dot_general3A_24 {strides = array<i32>} : memref<512x32xf32, #tpu.memory_space<vmem>>, vector<512x32xf32>,
    %get3A_27 = arith.constant 0 : index
    %get3A_28 = arith.constant 0 : index
    %get3A_29 = vector.load %arg5[%get3A_27, %get3A_28] : memref<8x32xf32, #tpu.memory_space<vmem>>, vector<8x32xf32>
    %dot_general3A_30 = arith.constant dense<0.000000e+00> : vector<8x512xf32>
    %dot_general3A_31 = tpu.matmul %get3A_29, %max3A_20, %dot_general3A_30 {dimension_numbers = #tpu.dot_dimension_numbers<[1], [1], [0], [0], [0, 0, 1, 0], [], []>, precision = #tpu.contract_precision<fp32>, transpose_lhs_hint = false} : vector<8x32xf32>, vector<512x32xf32>, vector<8x512xf32> -> vector<8x512xf32>
    %swap3A_32 = arith.constant 0 : index
    %swap3A_33 = arith.constant 0 : index
    %swap3A_34 = vector.load %arg7[%swap3A_32, %swap3A_33] : memref<8x512xf32, #tpu.memory_space<vmem>>, vector<8x512xf32>
    tpu.vector_store %arg7[%swap3A_32, %swap3A_33], %dot_general3A_31 {strides = array<i32>} : memref<8x512xf32, #tpu.memory_space<vmem>>, vector<8x512xf32>,
    return
  }
  func.func @transform_0(%arg0: i32) -> (i32, i32, i32) {
    %c0_i32 = arith.constant 0 : i32
    %c0_i32_0 = arith.constant 0 : i32
    %c0_i32_1 = arith.constant 0 : i32
    return %c0_i32, %arg0, %c0_i32_0 : i32, i32, i32
  }
  func.func @transform_1(%arg0: i32) -> (i32, i32, i32) {
    %c0_i32 = arith.constant 0 : i32
    %c0_i32_0 = arith.constant 0 : i32
    %c0_i32_1 = arith.constant 0 : i32
    return %c0_i32, %c0_i32_0, %arg0 : i32, i32, i32
  }
  func.func @transform_2(%arg0: i32) -> (i32, i32) {
    %c0_i32 = arith.constant 0 : i32
    %c0_i32_0 = arith.constant 0 : i32
    %c0_i32_1 = arith.constant 0 : i32
    return %c0_i32, %c0_i32_0 : i32, i32
  }
  func.func @transform_3(%arg0: i32) -> (i32, i32) {
    %c0_i32 = arith.constant 0 : i32
    %c0_i32_0 = arith.constant 0 : i32
    %c0_i32_1 = arith.constant 0 : i32
    return %c0_i32, %c0_i32_0 : i32, i32
  }
  func.func @transform_4(%arg0: i32) -> (i32, i32) {
    %c0_i32 = arith.constant 0 : i32
    %c0_i32_0 = arith.constant 0 : i32
    %c0_i32_1 = arith.constant 0 : i32
    return %c0_i32, %c0_i32_0 : i32, i32
  }
  func.func @transform_5(%arg0: i32) -> (i32, i32) {
    %c0_i32 = arith.constant 0 : i32
    %c0_i32_0 = arith.constant 0 : i32
    return %arg0, %c0_i32 : i32, i32
  }
  func.func @transform_6(%arg0: i32) -> (i32, i32) {
    %c0_i32 = arith.constant 0 : i32
    %c0_i32_0 = arith.constant 0 : i32
    return %c0_i32, %arg0 : i32, i32
  }
}

module attributes {stable_mosaic.version = 14 : i64} {
  func.func @_tc_final_body(%arg0: i32, %arg1: memref<2x512x32xf32, #tpu.memory_space<vmem>>, %arg2: memref<2x16x512xf32, #tpu.memory_space<vmem>>, %arg3: memref<1x32xf32, #tpu.memory_space<vmem>>, %arg4: memref<32x32xf32, #tpu.memory_space<vmem>>, %arg5: memref<1x32xf32, #tpu.memory_space<vmem>>, %arg6: memref<512x32xf32, #tpu.memory_space<vmem>>) attributes {dimension_semantics = [#tpu.dimension_semantics<arbitrary>], iteration_bounds = array<i64: 20>, scalar_prefetch = 0 : i64, scratch_operands = 0 : i64, tpu.core_type = #tpu.core_type<tc>, window_params = [{transform_indices = @transform_0, window_bounds = array<i64: 2, 512, 32>}, {transform_indices = @transform_1, window_bounds = array<i64: 2, 16, 512>}, {pipeline_mode = #tpu.pipeline_mode<synchronous>, transform_indices = @transform_2, window_bounds = array<i64: 1, 32>}, {pipeline_mode = #tpu.pipeline_mode<synchronous>, transform_indices = @transform_3, window_bounds = array<i64: 32, 32>}, {pipeline_mode = #tpu.pipeline_mode<synchronous>, transform_indices = @transform_4, window_bounds = array<i64: 1, 32>}, {transform_indices = @transform_5, window_bounds = array<i64: 512, 32>}]} {
    %get3A = arith.constant 0 : index
    %get3A_0 = arith.constant 0 : index
    %get3A_1 = arith.constant 0 : index
    %get3A_2 = vector.load %arg1[%get3A, %get3A_0, %get3A_1] : memref<2x512x32xf32, #tpu.memory_space<vmem>>, vector<2x512x32xf32>
    %slice3A = vector.extract_strided_slice %get3A_2 {offsets = [0, 0, 0], sizes = [1, 512, 32], strides = [1, 1, 1]} : vector<2x512x32xf32> to vector<1x512x32xf32>
    %squeeze3A = vector.shape_cast %slice3A : vector<1x512x32xf32> to vector<512x32xf32>
    %slice3A_3 = vector.extract_strided_slice %get3A_2 {offsets = [1, 0, 0], sizes = [1, 512, 32], strides = [1, 1, 1]} : vector<2x512x32xf32> to vector<1x512x32xf32>
    %squeeze3A_4 = vector.shape_cast %slice3A_3 : vector<1x512x32xf32> to vector<512x32xf32>
    %add3A = arith.addf %squeeze3A, %squeeze3A_4 : vector<512x32xf32>
    %get3A_5 = arith.constant 0 : index
    %get3A_6 = arith.constant 0 : index
    %get3A_7 = arith.constant 0 : index
    %get3A_8 = vector.load %arg2[%get3A_5, %get3A_6, %get3A_7] : memref<2x16x512xf32, #tpu.memory_space<vmem>>, vector<2x16x512xf32>
    %reduce_sum3A = arith.constant dense<0.000000e+00> : vector<512xf32>
    %reduce_sum3A_9 = vector.multi_reduction <add>, %get3A_8, %reduce_sum3A [0, 1] : vector<2x16x512xf32> to vector<512xf32>
    %reshape3A = vector.shape_cast %reduce_sum3A_9 : vector<512xf32> to vector<512x1xf32>
    %add3A_10 = arith.constant 1.000000e-16 : f32
    %add3A_11 = vector.broadcast %add3A_10 : f32 to vector<512x1xf32>
    %add3A_12 = arith.addf %reshape3A, %add3A_11 : vector<512x1xf32>
    %div3A = vector.broadcast %add3A_12 : vector<512x1xf32> to vector<512x32xf32>
    %div3A_13 = arith.divf %add3A, %div3A : vector<512x32xf32>
    %get3A_14 = arith.constant 0 : index
    %get3A_15 = arith.constant 0 : index
    %get3A_16 = vector.load %arg3[%get3A_14, %get3A_15] : memref<1x32xf32, #tpu.memory_space<vmem>>, vector<1x32xf32>
    %add3A_17 = vector.broadcast %get3A_16 : vector<1x32xf32> to vector<512x32xf32>
    %add3A_18 = arith.addf %div3A_13, %add3A_17 : vector<512x32xf32>
    %max3A = arith.constant 0.000000e+00 : f32
    %max3A_19 = vector.broadcast %max3A : f32 to vector<512x32xf32>
    %max3A_20 = arith.maximumf %add3A_18, %max3A_19 : vector<512x32xf32>
    %get3A_21 = arith.constant 0 : index
    %get3A_22 = arith.constant 0 : index
    %get3A_23 = vector.load %arg4[%get3A_21, %get3A_22] : memref<32x32xf32, #tpu.memory_space<vmem>>, vector<32x32xf32>
    %dot_general3A = arith.constant dense<0.000000e+00> : vector<512x32xf32>
    %dot_general3A_24 = tpu.matmul %max3A_20, %get3A_23, %dot_general3A {dimension_numbers = #tpu.dot_dimension_numbers<[1], [0], [0], [1], [0, 0, 1, 1], [], []>, precision = #tpu.contract_precision<fp32>, transpose_lhs_hint = false} : vector<512x32xf32>, vector<32x32xf32>, vector<512x32xf32> -> vector<512x32xf32>
    %get3A_25 = arith.constant 0 : index
    %get3A_26 = arith.constant 0 : index
    %get3A_27 = vector.load %arg5[%get3A_25, %get3A_26] : memref<1x32xf32, #tpu.memory_space<vmem>>, vector<1x32xf32>
    %add3A_28 = vector.broadcast %get3A_27 : vector<1x32xf32> to vector<512x32xf32>
    %add3A_29 = arith.addf %dot_general3A_24, %add3A_28 : vector<512x32xf32>
    %swap3A = arith.constant 0 : index
    %swap3A_30 = arith.constant 0 : index
    %swap3A_31 = vector.load %arg6[%swap3A, %swap3A_30] : memref<512x32xf32, #tpu.memory_space<vmem>>, vector<512x32xf32>
    tpu.vector_store %arg6[%swap3A, %swap3A_30], %add3A_29 {strides = array<i32>} : memref<512x32xf32, #tpu.memory_space<vmem>>, vector<512x32xf32>,
    return
  }
  func.func @transform_0(%arg0: i32) -> (i32, i32, i32) {
    %c0_i32 = arith.constant 0 : i32
    %c0_i32_0 = arith.constant 0 : i32
    %c0_i32_1 = arith.constant 0 : i32
    return %c0_i32, %arg0, %c0_i32_0 : i32, i32, i32
  }
  func.func @transform_1(%arg0: i32) -> (i32, i32, i32) {
    %c0_i32 = arith.constant 0 : i32
    %c0_i32_0 = arith.constant 0 : i32
    %c0_i32_1 = arith.constant 0 : i32
    return %c0_i32, %c0_i32_0, %arg0 : i32, i32, i32
  }
  func.func @transform_2(%arg0: i32) -> (i32, i32) {
    %c0_i32 = arith.constant 0 : i32
    %c0_i32_0 = arith.constant 0 : i32
    %c0_i32_1 = arith.constant 0 : i32
    return %c0_i32, %c0_i32_0 : i32, i32
  }
  func.func @transform_3(%arg0: i32) -> (i32, i32) {
    %c0_i32 = arith.constant 0 : i32
    %c0_i32_0 = arith.constant 0 : i32
    %c0_i32_1 = arith.constant 0 : i32
    return %c0_i32, %c0_i32_0 : i32, i32
  }
  func.func @transform_4(%arg0: i32) -> (i32, i32) {
    %c0_i32 = arith.constant 0 : i32
    %c0_i32_0 = arith.constant 0 : i32
    %c0_i32_1 = arith.constant 0 : i32
    return %c0_i32, %c0_i32_0 : i32, i32
  }
  func.func @transform_5(%arg0: i32) -> (i32, i32) {
    %c0_i32 = arith.constant 0 : i32
    %c0_i32_0 = arith.constant 0 : i32
    return %arg0, %c0_i32 : i32, i32
  }
}

</mosaic_0001>

<sc_bundles>
// kernel: kernel.10.cloned.1.call-start
scs
__scs_entry_jumppad:
0x0: {  	(pc) =	sbr.rel $0x88, $3  }
0x1: {  	(tag) =	ssettag $0x0;
	lr =	simm.s32 $0x1  }
0x2: {  	[smem:$0x3F95] =	sst lr;
	_ =	strace $0xD0000000  }
0x3: {  	_ = 	snop  }
0x4: {  	_ = 	snop  }
0x5: {  	_ = 	snop  }
0x6: {  	_ = 	snop  }
0x7: {  	_ = 	snop  }
__scs_overlays_trampoline_lowered:
0x8: {  	[smem:$0x3FA4] =	sst s0  }
0x9: {  	[smem:$0x3FA5] =	sst s1  }
0xa: {  	[smem:$0x3FA6] =	sst s2  }
0xb: {  	[smem:$0x3FA7] =	sst s3  }
0xc: {  	[smem:$0x3FA8] =	sst s4  }
0xd: {  	[smem:$0x3FA9] =	sst s5  }
0xe: {  	[smem:$0x3FAA] =	sst s6  }
0xf: {  	[smem:$0x3FAB] =	sst s7  }
0x10: {  	[smem:$0x3FAC] =	sst s8  }
0x11: {  	[smem:$0x3FAD] =	sst s9;
	s0 =	simm.s32 @!p0 $0x0  }
0x12: {  	s1 =	sld [smem:$0x3F93];
	s0 =	simm.s32 @p0 $0x1  }
0x13: {  	[smem:$0x3FAE] =	sst s0;
	s0 =	simm.s32 @!p1 $0x0  }
0x14: {  	s2 =	sld [smem:$0x3F92];
	s0 =	simm.s32 @p1 $0x1  }
0x15: {  	[smem:$0x3FAF] =	sst s0;
	s0 =	simm.s32 @!p2 $0x0  }
0x16: {  	s3 =	sld [smem:$0x3FDB];
	s0 =	simm.s32 @p2 $0x1  }
0x17: {  	s4 =	simm.s32 $0x1BF5;
	[smem:$0x3FB1] =	sst s0  }
0x18: {  	s0 =	sld [smem:$0x3F94];
	_ =	swait.ge [sflag:s4], $0x0  }
0x19: {  	s7 =	sld [smem:$0x3F95]  }
0x1a: {  	s8 =	sadd.s32 $0xFFFFE003, lr  }
0x1b: {  	s9 =	sadd.s32 $0xFFFFFEF7, lr;
	s5 =	simm.s32 $0xFFFFFFFF;
	p2 =	slt.u32 s8, $0xFFFFF086  }
0x1c: {  	p1 =	slt.u32 s9, $0xF7A;
	s5 =	simm.s32 @!p2 $0x0  }
0x1d: {  	s5 =	simm.s32 @p1 $0x1;
	p0 =	seq.s32 s7, s2  }
0x1e: {  	s7 =	smul.u32 @!p0 $0xF7A, s2;
	p2 =	seq.s32 @!p0 s5, $0x0  }
0x1f: {  	s9 =	smul.u32 $0xF7A, s1;
	s8 =	simm.s32 @!p0 $0x1BF5;
	p2 =	por !p2, p0  }
0x20: {  	[sflag:s8] =	ssyncset.s32 @!p0 $0xFFFFF086;
	s6 =	sadd.s32 @!p0 s3, s7;
	s7 =	simm.s32 @!p0 $0x108  }
0x21: {  	s3 =	sadd.s32 s3, s9;
	s6 =	sadd.s32 @!p0 $0x88, s6;
	s7 =	simm.s32 @p2 $0x1082  }
0x22: {  	[simem:s7], [sflag:s8] =	dma.local @!p0 [hbm:s6], $0xF7A  }
0x23: {  	s9 =	sor.u32 $0xD0000000, s2;
	s6 =	simm.s32 $0x108;
	_ =	swait.ge @!p0 [sflag:s8], $0x0  }
0x24: {  	s3 =	sadd.s32 $0x88, s3;
	s6 =	simm.s32 @!p1 $0x1082;
	[sflag:s4] =	ssyncset.s32 $0xFFFFF086  }
0x25: {  	[simem:s6], [sflag:s4] =	dma.local [hbm:s3], $0xF7A  }
0x26: {  	[smem:$0x3F95] =	sst s1;
	(tag) =	ssettag s2;
	_ =	strace s9  }
0x27: {  	s1 =	sld [smem:$0x3FA5]  }
0x28: {  	s2 =	sld [smem:$0x3FA6]  }
0x29: {  	s4 =	sld [smem:$0x3FA8]  }
0x2a: {  	p0 =	seq.s32 s5, $0x0;
	s5 =	sld [smem:$0x3FA9]  }
0x2b: {  	s6 =	sld [smem:$0x3FAA]  }
0x2c: {  	s7 =	sld [smem:$0x3FAB]  }
0x2d: {  	s3 =	simm.s32 $0x108;
	s8 =	sld [smem:$0x3FAC]  }
0x2e: {  	s3 =	simm.s32 @!p0 $0x1082;
	s9 =	sld [smem:$0x3FAD]  }
0x2f: {  	lr =	sadd.s32 s0, s3;
	s0 =	sld [smem:$0x3FA4]  }
0x30: {  	s3 =	sld [smem:$0x3FA7]  }
0x31: {  	[smem:$0x3FB0] =	sst s10  }
0x32: {  	s10 =	sld [smem:$0x3FAE];
	_ =	sdelay $0x3  }
0x33: {  	p0 =	seq.s32 s10, $0x1;
	s10 =	sld [smem:$0x3FB0];
	_ =	sdelay $0x3  }
0x34: {  	[smem:$0x3FB0] =	sst s10  }
0x35: {  	s10 =	sld [smem:$0x3FAF];
	_ =	sdelay $0x3  }
0x36: {  	p1 =	seq.s32 s10, $0x1;
	s10 =	sld [smem:$0x3FB0];
	_ =	sdelay $0x3  }
0x37: {  	[smem:$0x3FB0] =	sst s10  }
0x38: {  	s10 =	sld [smem:$0x3FB1]  }
0x39: {  	_ = 	snop;
	(pc) =	sbr.ind lr, $3  }
0x3a: {  	_ = 	snop  }
0x3b: {  	_ = 	snop  }
0x3c: {  	p2 =	seq.s32 s10, $0x1;
	s10 =	sld [smem:$0x3FB0]  }
0x3d: {  	_ =	shalt  }
0x3e: {  	_ =	shalt  }
0x3f: {  	_ =	shalt  }
0x40: {  	_ =	shalt  }
0x41: {  	_ =	shalt  }
0x42: {  	_ =	shalt  }
0x43: {  	_ =	shalt  }
0x44: {  	_ =	shalt  }
0x45: {  	_ =	shalt  }
0x46: {  	_ =	shalt  }
0x47: {  	_ =	shalt  }
0x48: {  	_ =	shalt  }
0x49: {  	_ =	shalt  }
0x4a: {  	_ =	shalt  }
0x4b: {  	_ =	shalt  }
0x4c: {  	_ =	shalt  }
0x4d: {  	_ =	shalt  }
0x4e: {  	_ =	shalt  }
0x4f: {  	_ =	shalt  }
0x50: {  	_ =	shalt  }
0x51: {  	_ =	shalt  }
0x52: {  	_ =	shalt  }
0x53: {  	_ =	shalt  }
0x54: {  	_ =	shalt  }
0x55: {  	_ =	shalt  }
0x56: {  	_ =	shalt  }
0x57: {  	_ =	shalt  }
0x58: {  	_ =	shalt  }
0x59: {  	_ =	shalt  }
0x5a: {  	_ =	shalt  }
0x5b: {  	_ =	shalt  }
0x5c: {  	_ =	shalt  }
0x5d: {  	_ =	shalt  }
0x5e: {  	_ =	shalt  }
0x5f: {  	_ =	shalt  }
0x60: {  	_ =	shalt  }
0x61: {  	_ =	shalt  }
0x62: {  	_ =	shalt  }
0x63: {  	_ =	shalt  }
0x64: {  	_ =	shalt  }
0x65: {  	_ =	shalt  }
0x66: {  	_ =	shalt  }
0x67: {  	_ =	shalt  }
0x68: {  	_ =	shalt  }
0x69: {  	_ =	shalt  }
0x6a: {  	_ =	shalt  }
0x6b: {  	_ =	shalt  }
0x6c: {  	_ =	shalt  }
0x6d: {  	_ =	shalt  }
0x6e: {  	_ =	shalt  }
0x6f: {  	_ =	shalt  }
0x70: {  	_ =	shalt  }
0x71: {  	_ =	shalt  }
0x72: {  	_ =	shalt  }
0x73: {  	_ =	shalt  }
0x74: {  	_ =	shalt  }
0x75: {  	_ =	shalt  }
0x76: {  	_ =	shalt  }
0x77: {  	_ =	shalt  }
0x78: {  	_ =	shalt  }
0x79: {  	_ =	shalt  }
0x7a: {  	_ =	shalt  }
0x7b: {  	_ =	shalt  }
0x7c: {  	_ =	shalt  }
0x7d: {  	_ =	shalt  }
0x7e: {  	_ =	shalt  }
0x7f: {  	_ =	shalt  }
0x80: {  	_ =	shalt  }
0x81: {  	_ =	shalt  }
0x82: {  	_ =	shalt  }
0x83: {  	_ =	shalt  }
0x84: {  	_ =	shalt  }
0x85: {  	_ =	shalt  }
0x86: {  	_ =	shalt  }
0x87: {  	_ =	shalt  }
.Lfunc_end0:
.L_simem_size_0:
called_computation.1_lowered:
.L_overlay_start_0:
0x88: {  	s2 =	sld [smem:$0x3FD9]  }
0x89: {  	s3 =	sld [smem:$0x3FFE];
	_ =	sdelay $0x1  }
0x8a: {  	s1 =	srdreg.scid  }
0x8b: {  	s0 =	sand.u32 $0x1, s1  }
0x8c: {  	s17 =	sshll.u32 s0, $0xA;
	s2 =	sadd.s32 s3, s2  }
0x8d: {  	s2 =	sadd.s32 s2, s17  }
0x8e: {  	[smem:$0x3FBC] =	sst s2  }
0x8f: {  	_ = 	snop  }
0x90: {  	s2 =	sld [smem:$0x3FD0];
	(tm) =	ssettm $0x1  }
0x91: {  	s18 =	sld [smem:$0x3FFB];
	_ =	sdelay $0x3  }
0x92: {  	_ =	strace s18  }
0x93: {  	s3 =	sld [smem:$0x3FFC];
	_ =	sdelay $0x3  }
0x94: {  	_ =	strace s3  }
0x95: {  	s3 =	sld [smem:$0x3FFD];
	_ =	sdelay $0x3  }
0x96: {  	_ =	strace s3  }
0x97: {  	_ =	strace $0x8FFFFFFF  }
0x98: {  	s19 =	sld [smem:$0x3FDB];
	_ =	sdelay $0x1  }
0x99: {  	s4 =	simm.s32 $_scs_section_size  }
0x9a: {  	s5 =	simm.s32 $_size__tile_overlayer_lowered;
	s6 =	simm.s32 $_tile_overlayer_lowered  }
0x9b: {  	s22 =	simm.s32 $0x1BFF;
	s21 =	sshll.u32 s6, $0x1;
	s3 =	sadd.s32 s4, s19  }
0x9c: {  	s7 =	simm.s32 $0x0;
	s20 =	sshll.u32 s5, $0x1;
	s5 =	sadd.s32 s21, s3  }
0x9d: {  	[timem:s7], [sflag:s22] =	dma.local [hbm:s5], s20  }
0x9e: {  	_ =	swait.ge [sflag:s22], s20  }
0x9f: {  	s4 =	ssub.s32 $0x0, s20;
	[sflag:s22] =	ssyncset.done $0x0  }
0xa0: {  	[sflag:s22] =	ssyncadd.s32 s4;
	_ =	sdelay $0x1  }
0xa1: {  	s23 =	simm.s32 $0x1B8B  }
0xa2: {  	_ =	swait.ge [sflag:s23], $0x1  }
0xa3: {  	[sflag:s23] =	ssyncset.done $0x0  }
0xa4: {  	s25 =	simm.s32 $0x1B8E;
	s24 =	sld [smem:$0x3FFE];
	[sflag:s23] =	ssyncadd.s32 $0xFFFFFFFF  }
0xa5: {  	s26 =	simm.s32 $execute0_lowered;
	[smem:$0x3FD2] =	sst s25  }
0xa6: {  	s5 =	sshll.u32 s26, $0x1;
	_ =	strace $0x80000049;
	[dreg:$0x1] =	wrdreg $0xFFFFFFFF  }
0xa7: {  	s28 =	simm.s32 $_size_execute0_lowered;
	s3 =	sadd.s32 s3, s5;
	[dreg:$0x0] =	wrdreg $0x0  }
0xa8: {  	s5 =	sshll.u32 s28, $0x1;
	[dreg:$0x2] =	wrdreg s3  }
0xa9: {  	[dreg:$0x3] =	wrdreg s5  }
0xaa: {  	[dreg:$0x4] =	wrdreg $0xC0  }
0xab: {  	_ =	task [dreg:s7], $0x5FFFF  }
0xac: {  	[dreg:$0x1] =	wrdreg $0xFFFFFFFF  }
0xad: {  	[dreg:$0x0] =	wrdreg $0x60  }
0xae: {  	[dreg:$0x2] =	wrdreg s24  }
0xaf: {  	[dreg:$0x3] =	wrdreg s2  }
0xb0: {  	[dreg:$0x4] =	wrdreg $0xDC900  }
0xb1: {  	[dreg:$0x5] =	wrdreg $0x12C900  }
0xb2: {  	[dreg:$0x6] =	wrdreg $0x9  }
0xb3: {  	_ =	task.clear_ibuf [dreg:s7], $0x7FFFF;
	_ =	strace $0x90000049  }
0xb4: {  	s29 =	simm.s32 $0x9;
	_ =	strace $0x8000004B  }
0xb5: {  	_ =	swait.ge [sflag:s29], $0x1  }
0xb6: {  	[sflag:s29] =	ssyncadd.s32 $0xFFFFFFFF  }
0xb7: {  	_ =	strace $0x9000004B  }
0xb8: {  	_ =	sfence  }
0xb9: {  	s30 =	sld [smem:$0x0];
	_ =	sdelay $0x2  }
0xba: {  	s31 =	sshll.u32 s1, $0xD;
	s1 =	sshrl.u32 s1, $0x2  }
0xbb: {  	s3 =	sand.u32 $0x4000, s31;
	s1 =	sadd.s32 s1, s30  }
0xbc: {  	s0 =	sor.u32 s3, s0;
	s1 =	sshll.u32 s1, $0x11  }
0xbd: {  	s0 =	sor.u32 s1, s0  }
0xbe: {  	s0 =	sadd.s32 $0x8F2B, s0  }
0xbf: {  	[sflag:s0] =	ssyncadd.remote.s32 $0x1  }
0xc0: {  	_ =	sfence.sel $0xFFFF  }
0xc1: {  	[dreg:$0x0] =	wrdreg $0xFFFFFFFF;
	(pc) =	sbr.abs _section_cstart, $3  }
0xc2: {  	[dreg:$0x1] =	wrdreg $0xFFFFFFFF  }
0xc3: {  	_ =	task.clear_ibuf [dreg:s7], $0x2FFFF;
	_ =	strace $0x9FFFFFFF  }
0xc4: {  	(tm) =	ssettm $0x7FFFFFFF  }
0xc5: {  	_ =	shalt  }
tec
execute0_lowered:
.L_overlay_start_1:
0x0: {  	(tag) =	ssettag $0x1  }
0x1: {  	s1 =	stileid.u32;
	s2 =	rddreg [dreg:$0x0]  }
0x2: {  	s0 =	srdreg.scid;
	s14 =	rddreg [dreg:$0x1];
	s5 =	simm.s32 $0x0  }
0x3: {  	s16 =	simm.s32 $0x5400;
	s17 =	simm.s32 $0x7C00;
	s21 =	simm.s32 $0x80  }
0x4: {  	s22 =	simm.s32 $0xA400;
	s23 =	simm.s32 $0xB490;
	s24 =	simm.s32 $0x1  }
0x5: {  	s25 =	simm.s32 $0xB400;
	s26 =	simm.s32 $0x0;
	s0 =	sand.u32 $0x1, s0  }
0x6: {  	s3 =	sshll.u32 s1, $0x1;
	s10 =	smul.u32 $0x5000, s1;
	[smem:$0x7FF] =	sst s5  }
0x7: {  	s11 =	smul.u32 $0x2800, s1;
	s29 =	sadd.s32 $0x21A00, s2;
	s31 =	sshll.u32 s1, $0x6  }
0x8: {  	s4 =	sor.u32 s0, s3;
	s3 =	rddreg [dreg:$0x2];
	s7 =	smul.u32 $0x50000, s0  }
0x9: {  	s8 =	smul.u32 $0x28000, s0;
	s0 =	ssub.s32 $0x2, s0;
	s18 =	sor.u32 $0x1C02, s31  }
0xa: {  	s6 =	smul.u32 $0x540, s4;
	s4 =	rddreg [dreg:$0x3];
	s9 =	sshrl.u32 s10, $0x3  }
0xb: {  	_ =	strace $0x8000004A;
	[dreg:$0x5] =	wrdreg s29;
	s30 =	sshrl.u32 s0, $0x1  }
0xc: {  	s19 =	sadd.s32 s10, s3;
	s12 =	sadd.s32 s9, s2;
	s7 =	sadd.s32 s10, s7  }
0xd: {  	s8 =	sadd.s32 s11, s8;
	s0 =	ssub.s32 s0, s30;
	s9 =	sadd.s32 $0x500, s14  }
0xe: {  	s20 =	sadd.s32 s10, s4;
	s14 =	simm.s32 $0x2;
	s19 =	sshrl.u32 s19, $0x3  }
0xf: {  	s28 =	sadd.s32 s6, s2;
	s7 =	sshrl.u32 s7, $0x3;
	s8 =	sshrl.u32 s8, $0x3  }
0x10: {  	s10 =	sadd.s32 $0x17A00, s12;
	s20 =	sshrl.u32 s20, $0x3;
	s13 =	sadd.s32 s7, s2  }
0x11: {  	v1 =	vimm.s32 $0x0;
	vm0 =	vcmask $0x300;
	s2 =	sadd.s32 s8, s2;
	s7 =	sadd.s32 $0x2A00, s28;
	s8 =	sadd.s32 $0xD200, s28  }
0x12: {  	v0 =	vimm.f32 $0.0e+00;
	v1 =	vsel vm0, $0x3, v1;
	s11 =	sadd.s32 $0x22400, s2;
	s12 =	sadd.s32 $0x2C400, s13;
	s13 =	smax.u32 s0, $0x1  }
.LBB2_1:
0x13: {  	[tilespmem:s5], [sflag:$0x2] =	stream.linear.gather [hbm4b:s7+s5], $0x2A00, $0x38;
	[tilespmem:$0x17C90] =	vst v63  }
0x14: {  	_ =	swait.ge [sflag:s14], $0x2A00  }
0x15: {  	[sflag:s14] =	ssyncset.done $0x0  }
0x16: {  	s0 =	simm.s32 $0x2A00;
	[sflag:s14] =	ssyncadd.s32 $0xFFFFD600  }
0x17: {  	[tilespmem:s0], [sflag:$0x2] =	stream.linear.gather [hbm4b:s8+s5], $0x2A00, $0x38;
	[tilespmem:$0x17C90] =	vst v63  }
0x18: {  	_ =	swait.ge [sflag:s14], $0x2A00  }
0x19: {  	[sflag:s14] =	ssyncset.done $0x0  }
0x1a: {  	[sflag:s14] =	ssyncadd.s32 $0xFFFFD600  }
0x1b: {  	s31 =	rddreg [dreg:$0x1]  }
0x1c: {  	[tilespmem:s16], [sflag:$0x2] =	stream.linear.gather [hbm4b:s31+s5], $0x2800, $0x38;
	[tilespmem:$0x17C90] =	vst v63  }
0x1d: {  	_ =	swait.ge [sflag:s14], $0x2800  }
0x1e: {  	[sflag:s14] =	ssyncset.done $0x0  }
0x1f: {  	[sflag:s14] =	ssyncadd.s32 $0xFFFFD800  }
0x20: {  	[tilespmem:s17], [sflag:$0x2] =	stream.linear.gather [hbm4b:s9+s5], $0x2800, $0x38;
	[tilespmem:$0x17C90] =	vst v63  }
0x21: {  	_ =	swait.ge [sflag:s14], $0x2800  }
0x22: {  	[sflag:s14] =	ssyncset.done $0x0  }
0x23: {  	s2 =	simm.s32 $0xB4D0;
	[sflag:s14] =	ssyncadd.s32 $0xFFFFD800  }
0x24: {  	[tilespmem:s2+$0xFFFFFFC0] =	vst v0  }
0x25: {  	[tilespmem:s2+$0x30] =	vst v0  }
0x26: {  	[tilespmem:s2+$0x20] =	vst v0  }
0x27: {  	[tilespmem:s2+$0x10] =	vst v0  }
0x28: {  	[tilespmem:s2+$0x0] =	vst v0  }
0x29: {  	[tilespmem:s2+$0xFFFFFFF0] =	vst v0  }
0x2a: {  	s28 =	simm.s32 $0x0;
	[tilespmem:s2+$0xFFFFFFE0] =	vst v0  }
.LBB2_2:
0x2b: {  	s28 =	sadd.s32 $0x80, s28;
	[tilespmem:s2+$0xFFFFFFD0] =	vst v0;
	s2 =	sadd.s32 $0x80, s2  }
0x2c: {  	[tilespmem:s2+$0xFFFFFFC0] =	vst v0;
	p0 =	slt.u32 s28, $0x2780  }
0x2d: {  	[tilespmem:s2+$0x30] =	vst v0  }
.Ltmp0:
0x2e: {  	[tilespmem:s2+$0x20] =	vst v0;
	(pc) =	sbr.rel @p0 .LBB2_2-.Ltmp0, $4  }
0x2f: {  	[tilespmem:s2+$0x10] =	vst v0  }
0x30: {  	[tilespmem:s2+$0x0] =	vst v0  }
0x31: {  	[tilespmem:s2+$0xFFFFFFF0] =	vst v0  }
0x32: {  	[tilespmem:s2+$0xFFFFFFE0] =	vst v0  }
0x33: {  	[tilespmem:s2+$0xFFFFFFD0] =	vst v0  }
0x34: {  	s0 =	rddreg [dreg:$0x5]  }
0x35: {  	[spmem:s19], [sflag:s18] =	dma.local [hbm:s0], $0xA00  }
0x36: {  	_ =	swait.ge [sflag:s14], $0xA00  }
0x37: {  	[sflag:s14] =	ssyncset.done $0x0  }
0x38: {  	[sflag:s14] =	ssyncadd.s32 $0xFFFFF600  }
0x39: {  	[spmem:s20], [sflag:s18] =	dma.local [hbm:s10], $0xA00  }
0x3a: {  	_ =	swait.ge [sflag:s14], $0xA00  }
0x3b: {  	[sflag:s14] =	ssyncset.done $0x0  }
0x3c: {  	[sflag:s14] =	ssyncadd.s32 $0xFFFFF600  }
0x3d: {  	s28 =	simm.s32 $0x0;
	s29 =	simm.s32 $0x0;
	[bflag:$0x0] =	sbarrier.arrive $0xFFFF  }
.LBB2_4:
0x3e: {  	s31 =	sshll.u32 s29, $0x7  }
0x3f: {  	[tilespmem:s22], [sflag:$0x1] =	stream.indirect.gather [spmem:s4], $0x20, s31, s21, $0xb8;
	[tilespmem:$0x17C90] =	vst v63  }
0x40: {  	v2 =	vld [tilespmem:s31+$0x0]  }
0x41: {  	v3 =	vld [tilespmem:s31+$0x2A00]  }
0x42: {  	v4 =	vld [tilespmem:s31+$0x10]  }
0x43: {  	v5 =	vld [tilespmem:s31+$0x2A10]  }
0x44: {  	v6 =	vld [tilespmem:s31+$0x20]  }
0x45: {  	v7 =	vld [tilespmem:s31+$0x2A20]  }
0x46: {  	v8 =	vld [tilespmem:s31+$0x30]  }
0x47: {  	v9 =	vld [tilespmem:s31+$0x2A30]  }
0x48: {  	v10 =	vld [tilespmem:s31+$0x40]  }
0x49: {  	v11 =	vld [tilespmem:s31+$0x2A40]  }
0x4a: {  	v12 =	vld [tilespmem:s31+$0x50]  }
0x4b: {  	v13 =	vld [tilespmem:s31+$0x2A50]  }
0x4c: {  	v14 =	vld [tilespmem:s31+$0x60]  }
0x4d: {  	v15 =	vld [tilespmem:s31+$0x2A60]  }
0x4e: {  	v16 =	vld [tilespmem:s31+$0x70]  }
0x4f: {  	v17 =	vld [tilespmem:s31+$0x2A70]  }
0x50: {  	v2 =	vld.idx.msk [tilespmem:v2+s16+$0x0], $0xffff  }
0x51: {  	v3 =	vld.idx.msk [tilespmem:v3+s17+$0x0], $0xffff  }
0x52: {  	v4 =	vld.idx.msk [tilespmem:v4+s16+$0x0], $0xffff  }
0x53: {  	v5 =	vld.idx.msk [tilespmem:v5+s17+$0x0], $0xffff  }
0x54: {  	v6 =	vld.idx.msk [tilespmem:v6+s16+$0x0], $0xffff  }
0x55: {  	v7 =	vld.idx.msk [tilespmem:v7+s17+$0x0], $0xffff  }
0x56: {  	v8 =	vld.idx.msk [tilespmem:v8+s16+$0x0], $0xffff  }
0x57: {  	v9 =	vld.idx.msk [tilespmem:v9+s17+$0x0], $0xffff  }
0x58: {  	v10 =	vld.idx.msk [tilespmem:v10+s16+$0x0], $0xffff  }
0x59: {  	v11 =	vld.idx.msk [tilespmem:v11+s17+$0x0], $0xffff  }
0x5a: {  	v2 =	vadd.f32 v3, v2;
	v3 =	vld.idx.msk [tilespmem:v12+s16+$0x0], $0xffff  }
0x5b: {  	v4 =	vadd.f32 v5, v4;
	v5 =	vld.idx.msk [tilespmem:v13+s17+$0x0], $0xffff  }
0x5c: {  	v6 =	vadd.f32 v7, v6;
	v7 =	vld.idx.msk [tilespmem:v14+s16+$0x0], $0xffff;
	v12 =	vmul.f32 $2.000000030e-01, v2  }
0x5d: {  	v14 =	vld.idx.msk [tilespmem:v15+s17+$0x0], $0xffff;
	v13 =	vmul.f32 $2.000000030e-01, v4  }
0x5e: {  	v15 =	vld.idx.msk [tilespmem:v16+s16+$0x0], $0xffff;
	v2 =	vmax.f32 v2, v12;
	v12 =	vmul.f32 $2.000000030e-01, v6  }
0x5f: {  	v4 =	vmax.f32 v4, v13;
	v13 =	vld.idx.msk [tilespmem:v17+s17+$0x0], $0xffff;
	v2 =	vmul.f32 $1.442695020e+00, v2  }
0x60: {  	v8 =	vadd.f32 v9, v8;
	v4 =	vmul.f32 $1.442695020e+00, v4;
	v6 =	vmax.f32 v6, v12  }
0x61: {  	(erf) = vpow2.f32 v2;
	v2 =	vmul.f32 $1.442695020e+00, v6;
	v6 =	vadd.f32 v11, v10  }
0x62: {  	v3 =	vadd.f32 v5, v3;
	(erf) = vpow2.f32 v4;
	v4 =	vmul.f32 $2.000000030e-01, v8  }
0x63: {  	v5 =	vadd.f32 v14, v7;
	(erf) = vpow2.f32 v2;
	v2 =	vmul.f32 $2.000000030e-01, v6  }
0x64: {  	v7 =	vmul.f32 $2.000000030e-01, v3;
	v4 =	vmax.f32 v8, v4;
	v8 =	vadd.f32 v13, v15  }
0x65: {  	v4 =	vmul.f32 $1.442695020e+00, v4;
	v2 =	vmax.f32 v6, v2;
	v6 =	vmul.f32 $2.000000030e-01, v5  }
0x66: {  	v3 =	vmax.f32 v3, v7;
	v2 =	vmul.f32 $1.442695020e+00, v2;
	v7 =	vmul.f32 $2.000000030e-01, v8  }
0x67: {  	v3 =	vmul.f32 $1.442695020e+00, v3;
	(erf) = vpow2.f32 v4;
	v4 =	vmax.f32 v5, v6  }
0x68: {  	(erf) = vpow2.f32 v2;
	v2 =	vmul.f32 $1.442695020e+00, v4;
	v4 =	vmax.f32 v8, v7  }
0x69: {  	(erf) = vpow2.f32 v3;
	v3 =	vmul.f32 $1.442695020e+00, v4  }
0x6a: {  	(erf) = vpow2.f32 v2  }
0x6b: {  	(erf) = vpow2.f32 v3;
	_ =	sdelay $0x1  }
0x6c: {  	v2 =	vpop (erf)  }
0x6d: {  	v3 =	vpop (erf);
	[tilespmem:$0xB410] =	vst v2  }
0x6e: {  	v4 =	vpop (erf);
	[tilespmem:$0xB420] =	vst v3  }
0x6f: {  	[tilespmem:$0xB430] =	vst v4;
	v3 =	vpop (erf)  }
0x70: {  	v4 =	vpop (erf);
	[tilespmem:$0xB440] =	vst v3  }
0x71: {  	v3 =	vpop (erf);
	[tilespmem:$0xB450] =	vst v4  }
0x72: {  	v4 =	vpop (erf);
	[tilespmem:$0xB460] =	vst v3  }
0x73: {  	[tilespmem:$0xB470] =	vst v4;
	v3 =	vpop (erf)  }
0x74: {  	[tilespmem:$0xB480] =	vst v3  }
0x75: {  	v3 =	vld [tilespmem:s31+$0x2A00];
	_ =	sdelay $0x7  }
0x76: {  	[tilespmem:v3+s23+$0x0] =	vst.idx.add.f32.msk $0xffff, v2  }
0x77: {  	v2 =	vld [tilespmem:s31+$0x2A10];
	_ =	sdelay $0x2  }
0x78: {  	v3 =	vld [tilespmem:$0xB420];
	_ =	sdelay $0x4  }
0x79: {  	[tilespmem:v2+s23+$0x0] =	vst.idx.add.f32.msk $0xffff, v3  }
0x7a: {  	v2 =	vld [tilespmem:s31+$0x2A20];
	_ =	sdelay $0x2  }
0x7b: {  	v3 =	vld [tilespmem:$0xB430];
	_ =	sdelay $0x4  }
0x7c: {  	[tilespmem:v2+s23+$0x0] =	vst.idx.add.f32.msk $0xffff, v3  }
0x7d: {  	v2 =	vld [tilespmem:s31+$0x2A30];
	_ =	sdelay $0x2  }
0x7e: {  	v3 =	vld [tilespmem:$0xB440];
	_ =	sdelay $0x4  }
0x7f: {  	[tilespmem:v2+s23+$0x0] =	vst.idx.add.f32.msk $0xffff, v3  }
0x80: {  	v2 =	vld [tilespmem:s31+$0x2A40];
	_ =	sdelay $0x2  }
0x81: {  	v3 =	vld [tilespmem:$0xB450];
	_ =	sdelay $0x4  }
0x82: {  	[tilespmem:v2+s23+$0x0] =	vst.idx.add.f32.msk $0xffff, v3  }
0x83: {  	v2 =	vld [tilespmem:s31+$0x2A50];
	_ =	sdelay $0x2  }
0x84: {  	v3 =	vld [tilespmem:$0xB460];
	_ =	sdelay $0x4  }
0x85: {  	[tilespmem:v2+s23+$0x0] =	vst.idx.add.f32.msk $0xffff, v3  }
0x86: {  	s6 =	simm.s32 $0x5;
	v5 =	vld [tilespmem:s31+$0x2A60]  }
0x87: {  	v9 =	vmov s6  }
0x88: {  	v9 =	vadd.s32 $0x10, v9  }
0x89: {  	s6 =	simm.s32 $0x9;
	v9 =	vshrl.u32 v9, $0x3;
	v15 =	vld [tilespmem:$0xB470]  }
0x8a: {  	s15 =	simm.s32 $0x6;
	v9 =	vshll.u32 v9, v1;
	v12 =	vmov s6  }
0x8b: {  	v9 =	vadd.s32 $0x5, v9;
	s6 =	simm.s32 $0xC;
	v10 =	vmov s15;
	v12 =	vadd.s32 $0x10, v12  }
0x8c: {  	s15 =	simm.s32 $0xA;
	v16 =	vmov s6;
	v10 =	vadd.s32 $0x10, v10;
	v12 =	vshrl.u32 v12, $0x3  }
0x8d: {  	v10 =	vshrl.u32 v10, $0x3;
	v12 =	vshll.u32 v12, v1;
	v13 =	vmov s15;
	s15 =	simm.s32 $0xD  }
0x8e: {  	s2 =	simm.s32 $0x8;
	v10 =	vshll.u32 v10, v1;
	v17 =	vmov s15;
	v13 =	vadd.s32 $0x10, v13;
	[tilespmem:v5+s23+$0x0] =	vst.idx.add.f32.msk $0xffff, v15  }
0x8f: {  	s30 =	simm.s32 $0x2;
	v13 =	vshrl.u32 v13, $0x3;
	v3 =	vmov s2;
	s2 =	simm.s32 $0x4;
	v5 =	vadd.s32 $0x10, v16;
	v16 =	vld [tilespmem:s31+$0x2A70]  }
0x90: {  	s1 =	simm.s32 $0x3;
	v6 =	vmov s30;
	v4 =	vmov s28;
	v8 =	vmov s2;
	s2 =	simm.s32 $0xE  }
0x91: {  	s0 =	simm.s32 $0x1;
	v7 =	vmov s1;
	v2 =	vadd.s32 $0x10, v4;
	v18 =	vmov s2  }
0x92: {  	v4 =	vmov s0;
	v15 =	vadd.s32 $0x10, v17;
	v17 =	vadd.s32 $0x10, v18;
	v18 =	vld [tilespmem:$0xB480]  }
0x93: {  	v2 =	vshrl.u32 v2, $0x3;
	v3 =	vadd.s32 $0x10, v3;
	v4 =	vadd.s32 $0x10, v4  }
0x94: {  	v2 =	vshll.u32 v2, v1;
	v4 =	vshrl.u32 v4, $0x3;
	v3 =	vshrl.u32 v3, $0x3  }
0x95: {  	v2 =	vbroadcast v2, $0x0;
	v3 =	vshll.u32 v3, v1;
	v4 =	vshll.u32 v4, v1  }
0x96: {  	v6 =	vadd.s32 $0x10, v6;
	v3 =	vbroadcast v3, $0x0;
	v4 =	vadd.s32 $0x1, v4  }
0x97: {  	v6 =	vshrl.u32 v6, $0x3;
	s0 =	simm.s32 $0x7;
	v8 =	vadd.s32 $0x10, v8;
	v4 =	vbroadcast v4, $0x0;
	[tilespmem:v16+s23+$0x0] =	vst.idx.add.f32.msk $0xffff, v18  }
0x98: {  	v6 =	vshll.u32 v6, v1;
	v11 =	vmov s0;
	v8 =	vshrl.u32 v8, $0x3;
	_ =	swait.ge [sflag:s24], $0x1000  }
0x99: {  	v6 =	vadd.s32 $0x2, v6;
	v11 =	vadd.s32 $0x10, v11;
	v8 =	vshll.u32 v8, v1;
	[sflag:s24] =	ssyncset.done $0x0  }
0x9a: {  	v11 =	vshrl.u32 v11, $0x3;
	v16 =	vbroadcast v6, $0x0;
	v6 =	vadd.s32 $0x4, v8;
	[sflag:s24] =	ssyncadd.s32 $0xFFFFF000  }
0x9b: {  	v8 =	vshll.u32 v13, v1;
	v13 =	vbroadcast v6, $0x0;
	v6 =	vadd.s32 $0x6, v10;
	v18 =	vld.idx.msk [tilespmem:v2+s25+$0x0], $0xffff  }
0x9c: {  	v7 =	vadd.s32 $0x10, v7;
	v11 =	vshll.u32 v11, v1;
	v10 =	vbroadcast v6, $0x0;
	v6 =	vld.idx.msk [tilespmem:v3+s25+$0x0], $0xffff  }
0x9d: {  	s30 =	simm.s32 $0xA500;
	s0 =	simm.s32 $0xB;
	v2 =	vbroadcast v9, $0x0;
	v9 =	vadd.s32 $0x7, v11;
	v11 =	vadd.s32 $0x1, v12;
	v12 =	vld.idx.msk [tilespmem:v4+s25+$0x0], $0xffff  }
0x9e: {  	v7 =	vshrl.u32 v7, $0x3;
	v14 =	vmov s0;
	v27 =	vld [tilespmem:s30+$0xFFFFFF00]  }
0x9f: {  	v7 =	vshll.u32 v7, v1;
	v14 =	vadd.s32 $0x10, v14;
	v31 =	vld [tilespmem:s30+$0xFFFFFF10]  }
0xa0: {  	v7 =	vadd.s32 $0x3, v7;
	v14 =	vshrl.u32 v14, $0x3;
	v35 =	vld [tilespmem:s30+$0xFFFFFF20]  }
0xa1: {  	v7 =	vbroadcast v7, $0x0;
	v14 =	vshll.u32 v14, v1;
	v37 =	vld [tilespmem:s30+$0xFFFFFF30]  }
0xa2: {  	v14 =	vadd.s32 $0x3, v14;
	v38 =	vld [tilespmem:s30+$0xFFFFFF40]  }
0xa3: {  	v14 =	vbroadcast v14, $0x0;
	v5 =	vshrl.u32 v5, $0x3;
	v39 =	vld [tilespmem:s30+$0xFFFFFF50]  }
0xa4: {  	v15 =	vshrl.u32 v15, $0x3;
	v17 =	vshrl.u32 v17, $0x3;
	v5 =	vshll.u32 v5, v1;
	v63 =	vld [tilespmem:s30+$0xFFFFFF60]  }
0xa5: {  	v5 =	vadd.s32 $0x4, v5;
	v8 =	vadd.s32 $0x2, v8;
	v3 =	vshll.u32 v15, v1;
	v42 =	vld [tilespmem:s30+$0xFFFFFF70]  }
0xa6: {  	s6 =	simm.s32 $0xF;
	v4 =	vbroadcast v9, $0x0;
	v9 =	vshll.u32 v17, v1;
	v11 =	vbroadcast v11, $0x0;
	v15 =	vld.idx.msk [tilespmem:v16+s25+$0x0], $0xffff  }
0xa7: {  	v3 =	vadd.s32 $0x5, v3;
	v16 =	vld.idx.msk [tilespmem:v7+s25+$0x0], $0xffff;
	v7 =	vbroadcast v8, $0x0;
	v8 =	vmov s6;
	s6 =	simm.s32 $0x12  }
0xa8: {  	v44 =	vld [tilespmem:s30+$0xFFFFFF90];
	v20 =	vbroadcast v3, $0x0;
	v3 =	vadd.s32 $0x6, v9;
	v21 =	vmov s6;
	s6 =	simm.s32 $0x15  }
0xa9: {  	v46 =	vld [tilespmem:s30+$0xFFFFFFB0];
	v8 =	vadd.s32 $0x10, v8;
	v25 =	vmov s6;
	s6 =	simm.s32 $0x19;
	v21 =	vadd.s32 $0x10, v21  }
0xaa: {  	v13 =	vld.idx.msk [tilespmem:v13+s25+$0x0], $0xffff;
	v29 =	vmov s6;
	v27 =	vmul.f32 v27, v18;
	v18 =	vmul.f32 v31, v18  }
0xab: {  	v19 =	vld.idx.msk [tilespmem:v10+s25+$0x0], $0xffff;
	v25 =	vadd.s32 $0x10, v25;
	v41 =	vmul.f32 v35, v12;
	v12 =	vmul.f32 v37, v12  }
0xac: {  	s6 =	simm.s32 $0x1D;
	v21 =	vshrl.u32 v21, $0x3;
	v17 =	vld.idx.msk [tilespmem:v2+s25+$0x0], $0xffff;
	v2 =	vbroadcast v5, $0x0;
	v5 =	vshrl.u32 v8, $0x3  }
0xad: {  	v34 =	vmov s6;
	v40 =	vadd.s32 $0x10, v29;
	v25 =	vshrl.u32 v25, $0x3;
	v10 =	vld.idx.msk [tilespmem:v4+s25+$0x0], $0xffff  }
0xae: {  	v5 =	vshll.u32 v5, v1;
	v4 =	vbroadcast v3, $0x0;
	[tilespmem:s30+$0xFFFFFF10] =	vst v18;
	v18 =	vld [tilespmem:s30+$0xFFFFFF80];
	v43 =	vmul.f32 v38, v15  }
0xaf: {  	s1 =	simm.s32 $0x18;
	v34 =	vadd.s32 $0x10, v34;
	[tilespmem:s30+$0xFFFFFF30] =	vst v12;
	v12 =	vmul.f32 v39, v15;
	v15 =	vld [tilespmem:s30+$0xFFFFFFA0];
	v45 =	vmul.f32 v63, v16  }
0xb0: {  	v54 =	vshll.u32 v25, v1;
	v3 =	vadd.s32 $0x7, v5;
	v5 =	vld.idx.msk [tilespmem:v20+s25+$0x0], $0xffff;
	v20 =	vmov s1;
	s1 =	simm.s32 $0x1B  }
0xb1: {  	v47 =	vld [tilespmem:s30+$0xFFFFFFD0];
	v51 =	vshrl.u32 v34, $0x3;
	v32 =	vmov s1;
	[tilespmem:s30+$0xFFFFFF50] =	vst v12;
	v12 =	vmul.f32 v42, v16  }
0xb2: {  	v9 =	vld.idx.msk [tilespmem:v11+s25+$0x0], $0xffff;
	v11 =	vbroadcast v3, $0x0;
	v20 =	vadd.s32 $0x10, v20;
	v32 =	vadd.s32 $0x10, v32  }
0xb3: {  	s15 =	simm.s32 $0x10;
	v16 =	vld [tilespmem:s30+$0xFFFFFFC0];
	v20 =	vshrl.u32 v20, $0x3;
	[tilespmem:s30+$0xFFFFFF70] =	vst v12;
	v12 =	vmul.f32 v44, v13;
	v49 =	vshrl.u32 v32, $0x3  }
0xb4: {  	v20 =	vshll.u32 v20, v1;
	v3 =	vld.idx.msk [tilespmem:v2+s25+$0x0], $0xffff;
	v2 =	vmov s15;
	v18 =	vmul.f32 v18, v13  }
0xb5: {  	v8 =	vld.idx.msk [tilespmem:v7+s25+$0x0], $0xffff;
	s15 =	simm.s32 $0x13;
	v15 =	vmul.f32 v15, v17;
	v57 =	vshll.u32 v49, v1;
	v20 =	vbroadcast v20, $0x0  }
0xb6: {  	v7 =	vld.idx.msk [tilespmem:v14+s25+$0x0], $0xffff;
	v14 =	vadd.s32 $0x10, v2;
	v22 =	vmov s15;
	s15 =	simm.s32 $0x16;
	[tilespmem:s30+$0xFFFFFF90] =	vst v12;
	v12 =	vmul.f32 v46, v17  }
0xb7: {  	s2 =	simm.s32 $0x11;
	v26 =	vmov s15;
	s15 =	simm.s32 $0x1A;
	v14 =	vshrl.u32 v14, $0x3;
	v22 =	vadd.s32 $0x10, v22  }
0xb8: {  	[tilespmem:s30+$0xFFFFFFA0] =	vst v15;
	v15 =	vmul.f32 v16, v19;
	v2 =	vld.idx.msk [tilespmem:v11+s25+$0x0], $0xffff;
	v11 =	vmov s2;
	v30 =	vmov s15  }
0xb9: {  	v23 =	vld [tilespmem:s30+$0xF0];
	[tilespmem:s30+$0xFFFFFF00] =	vst v27;
	s2 =	simm.s32 $0x14;
	v26 =	vadd.s32 $0x10, v26;
	v14 =	vshll.u32 v14, v1;
	v22 =	vshrl.u32 v22, $0x3  }
0xba: {  	v13 =	vld [tilespmem:s30+$0xFFFFFFE0];
	s15 =	simm.s32 $0x1E;
	[tilespmem:s30+$0xFFFFFFB0] =	vst v12;
	v12 =	vmul.f32 v47, v19;
	v19 =	vshll.u32 v21, v1;
	v24 =	vmov s2  }
0xbb: {  	[tilespmem:s30+$0xFFFFFF20] =	vst v41;
	v17 =	vld [tilespmem:s30+$0x0];
	v36 =	vmov s15;
	v11 =	vadd.s32 $0x10, v11;
	v30 =	vadd.s32 $0x10, v30  }
0xbc: {  	[tilespmem:s30+$0xFFFFFF80] =	vst v18;
	v18 =	vld [tilespmem:s30+$0xFFFFFFF0];
	s2 =	simm.s32 $0x17;
	v26 =	vshrl.u32 v26, $0x3;
	v53 =	vbroadcast v14, $0x0;
	v21 =	vshll.u32 v22, v1  }
0xbd: {  	[tilespmem:s30+$0xFFFFFF40] =	vst v43;
	v16 =	vld [tilespmem:s30+$0x10];
	v19 =	vadd.s32 $0x2, v19;
	v28 =	vmov s2;
	v24 =	vadd.s32 $0x10, v24  }
0xbe: {  	v59 =	vld [tilespmem:s30+$0x70];
	[tilespmem:s30+$0xFFFFFF60] =	vst v45;
	v36 =	vadd.s32 $0x10, v36;
	v11 =	vshrl.u32 v11, $0x3;
	v48 =	vshrl.u32 v30, $0x3  }
0xbf: {  	[tilespmem:s30+$0xFFFFFFC0] =	vst v15;
	v15 =	vld [tilespmem:s30+$0x30];
	s2 =	simm.s32 $0x1C;
	v13 =	vmul.f32 v13, v10;
	v55 =	vshll.u32 v26, v1;
	v19 =	vbroadcast v19, $0x0  }
0xc0: {  	v14 =	vld [tilespmem:s30+$0x20];
	[tilespmem:s30+$0xFFFFFFD0] =	vst v12;
	v33 =	vmov s2;
	v24 =	vshrl.u32 v24, $0x3;
	v12 =	vmul.f32 v17, v6  }
0xc1: {  	v52 =	vshrl.u32 v36, $0x3;
	v11 =	vshll.u32 v11, v1;
	v17 =	vld [tilespmem:s30+$0x50];
	v10 =	vmul.f32 v18, v10;
	[tilespmem:s30+$0xFFFFFFE0] =	vst v13  }
0xc2: {  	v25 =	vadd.s32 $0x6, v55;
	v33 =	vadd.s32 $0x10, v33;
	v18 =	vld [tilespmem:s30+$0x40];
	v6 =	vmul.f32 v16, v6;
	[tilespmem:s30+$0x0] =	vst v12  }
0xc3: {  	v22 =	vshll.u32 v24, v1;
	v16 =	vshll.u32 v48, v1;
	v23 =	vmul.f32 v23, v2;
	[tilespmem:s30+$0xFFFFFFF0] =	vst v10;
	v10 =	vld [tilespmem:s30+$0x60]  }
0xc4: {  	v4 =	vld.idx.msk [tilespmem:v4+s25+$0x0], $0xffff;
	v13 =	vshll.u32 v51, v1;
	v11 =	vadd.s32 $0x1, v11;
	[tilespmem:s30+$0x10] =	vst v6;
	v6 =	vmul.f32 v15, v9  }
0xc5: {  	v24 =	vadd.s32 $0x5, v54;
	v50 =	vshrl.u32 v33, $0x3;
	v58 =	vmul.f32 v14, v9;
	v9 =	vld [tilespmem:s30+$0x80];
	[tilespmem:s30+$0xF0] =	vst v23  }
0xc6: {  	[tilespmem:s30+$0x30] =	vst v6;
	v6 =	vmul.f32 v17, v8;
	v17 =	vbroadcast v11, $0x0;
	v11 =	vadd.s32 $0x3, v21;
	v21 =	vld [tilespmem:s30+$0xB0]  }
0xc7: {  	v12 =	vshll.u32 v52, v1;
	v14 =	vshll.u32 v50, v1;
	[tilespmem:s30+$0x20] =	vst v58;
	v15 =	vmul.f32 v18, v8;
	v18 =	vld [tilespmem:s30+$0x90]  }
0xc8: {  	v23 =	vadd.s32 $0x10, v28;
	v28 =	vshrl.u32 v40, $0x3;
	v8 =	vld [tilespmem:s30+$0xA0];
	[tilespmem:s30+$0x50] =	vst v6;
	v10 =	vmul.f32 v10, v7  }
0xc9: {  	v23 =	vshrl.u32 v23, $0x3;
	v6 =	vmul.f32 v59, v7;
	[tilespmem:s30+$0x40] =	vst v15;
	v15 =	vadd.s32 $0x4, v22;
	v22 =	vld [tilespmem:s30+$0xC0]  }
0xca: {  	v60 =	vld [tilespmem:s30+$0xD0];
	v56 =	vshll.u32 v28, v1;
	v7 =	vbroadcast v11, $0x0;
	[tilespmem:s30+$0x60] =	vst v10;
	v10 =	vmul.f32 v9, v3  }
0xcb: {  	v23 =	vshll.u32 v23, v1;
	v11 =	vbroadcast v15, $0x0;
	[tilespmem:s30+$0x70] =	vst v6;
	v6 =	vld [tilespmem:s30+$0xE0];
	v63 =	vmul.f32 v21, v5  }
0xcc: {  	v62 =	vadd.s32 $0x1, v56;
	v15 =	vbroadcast v24, $0x0;
	v9 =	vld.idx.msk [tilespmem:v53+s25+$0x0], $0xffff;
	v61 =	vmul.f32 v18, v3;
	[tilespmem:s30+$0x80] =	vst v10  }
0xcd: {  	v23 =	vadd.s32 $0x7, v23;
	v8 =	vmul.f32 v8, v5;
	v18 =	vbroadcast v25, $0x0;
	v3 =	vld.idx.msk [tilespmem:v20+s25+$0x0], $0xffff;
	[tilespmem:s30+$0xB0] =	vst v63  }
0xce: {  	v5 =	vbroadcast v23, $0x0;
	v20 =	vadd.s32 $0x2, v16;
	v10 =	vld.idx.msk [tilespmem:v17+s25+$0x0], $0xffff;
	[tilespmem:s30+$0x90] =	vst v61;
	v16 =	vmul.f32 v22, v4  }
0xcf: {  	s0 =	simm.s32 $0x1F;
	s31 =	sadd.s32 $0x2A00, s31;
	s2 =	simm.s32 $0x20;
	v21 =	vadd.s32 $0x3, v57;
	[tilespmem:s30+$0xA0] =	vst v8;
	v8 =	vld.idx.msk [tilespmem:v19+s25+$0x0], $0xffff;
	v19 =	vbroadcast v62, $0x0;
	v4 =	vmul.f32 v60, v4  }
.LBB2_5:
0xd0: {  	p0 =	slt.u32 s2, $0x70;
	v17 =	vld.idx.msk [tilespmem:v7+s25+$0x0], $0xffff;
	v7 =	vbroadcast v20, $0x0;
	v20 =	vmov s0;
	[tilespmem:s30+$0xC0] =	vst v16;
	v2 =	vmul.f32 v6, v2  }
0xd1: {  	v6 =	vbroadcast v21, $0x0;
	v16 =	vld.idx.msk [tilespmem:v11+s25+$0x0], $0xffff;
	v11 =	vadd.s32 $0x4, v14;
	v14 =	vadd.s32 $0x10, v20;
	[tilespmem:s30+$0xD0] =	vst v4  }
0xd2: {  	v15 =	vld.idx.msk [tilespmem:v15+s25+$0x0], $0xffff;
	v4 =	vbroadcast v11, $0x0;
	v11 =	vadd.s32 $0x5, v13;
	v13 =	vshrl.u32 v14, $0x3;
	[tilespmem:s30+$0xE0] =	vst v2  }
0xd3: {  	v14 =	vld.idx.msk [tilespmem:v18+s25+$0x0], $0xffff;
	v2 =	vbroadcast v11, $0x0;
	v11 =	vadd.s32 $0x6, v12;
	v12 =	vshll.u32 v13, v1  }
0xd4: {  	v13 =	vld.idx.msk [tilespmem:v5+s25+$0x0], $0xffff;
	v18 =	vbroadcast v11, $0x0;
	v5 =	vadd.s32 $0x7, v12  }
0xd5: {  	v12 =	vld.idx.msk [tilespmem:v19+s25+$0x0], $0xffff;
	v19 =	vbroadcast v5, $0x0  }
0xd6: {  	v11 =	vld.idx.msk [tilespmem:v7+s25+$0x0], $0xffff  }
0xd7: {  	v7 =	vld.idx.msk [tilespmem:v6+s25+$0x0], $0xffff  }
0xd8: {  	v6 =	vld.idx.msk [tilespmem:v4+s25+$0x0], $0xffff  }
0xd9: {  	v5 =	vld.idx.msk [tilespmem:v2+s25+$0x0], $0xffff  }
0xda: {  	s0 =	sadd.s32 $0x1, s2;
	s1 =	sadd.s32 $0x8, s2;
	v2 =	vmov s2;
	v4 =	vld.idx.msk [tilespmem:v18+s25+$0x0], $0xffff  }
0xdb: {  	s15 =	sadd.s32 $0x2, s2;
	s6 =	sadd.s32 $0x3, s2;
	v20 =	vmov s1;
	s30 =	sadd.s32 $0x200, s30;
	v18 =	vadd.s32 $0x10, v2;
	v2 =	vld.idx.msk [tilespmem:v19+s25+$0x0], $0xffff  }
0xdc: {  	v21 =	vmov s15;
	v22 =	vmov s6;
	s1 =	sadd.s32 $0x5, s2;
	s6 =	sadd.s32 $0x6, s2;
	v19 =	vmov s0;
	s0 =	sadd.s32 $0x4, s2;
	v23 =	vld [tilespmem:s30+$0xF0]  }
0xdd: {  	v25 =	vmov s1;
	v26 =	vmov s6;
	s1 =	sadd.s32 $0x9, s2;
	s6 =	sadd.s32 $0xA, s2;
	v24 =	vmov s0;
	s0 =	sadd.s32 $0x7, s2;
	v27 =	vld [tilespmem:s30+$0xFFFFFF00]  }
0xde: {  	v29 =	vmov s1;
	v30 =	vmov s6;
	s1 =	sadd.s32 $0xC, s2;
	s6 =	sadd.s32 $0xD, s2;
	v28 =	vmov s0;
	s0 =	sadd.s32 $0xB, s2;
	v31 =	vld [tilespmem:s30+$0xFFFFFF10]  }
0xdf: {  	v33 =	vmov s1;
	v34 =	vmov s6;
	v32 =	vmov s0;
	s0 =	sadd.s32 $0xE, s2;
	v35 =	vld [tilespmem:s30+$0xFFFFFF20]  }
0xe0: {  	v20 =	vadd.s32 $0x10, v20;
	v18 =	vshrl.u32 v18, $0x3;
	v36 =	vmov s0;
	v37 =	vld [tilespmem:s30+$0xFFFFFF30]  }
0xe1: {  	v21 =	vadd.s32 $0x10, v21;
	v19 =	vadd.s32 $0x10, v19;
	v38 =	vld [tilespmem:s30+$0xFFFFFF40];
	v23 =	vmul.f32 v23, v2  }
0xe2: {  	v22 =	vadd.s32 $0x10, v22;
	v24 =	vadd.s32 $0x10, v24;
	v27 =	vmul.f32 v27, v9;
	v39 =	vld [tilespmem:s30+$0xFFFFFF50]  }
0xe3: {  	v25 =	vadd.s32 $0x10, v25;
	v26 =	vadd.s32 $0x10, v26;
	v9 =	vmul.f32 v31, v9;
	v31 =	vld [tilespmem:s30+$0xFFFFFF60];
	[tilespmem:s30+$0xF0] =	vst v23  }
0xe4: {  	v23 =	vadd.s32 $0x10, v28;
	v28 =	vadd.s32 $0x10, v29;
	[tilespmem:s30+$0xFFFFFF00] =	vst v27;
	v27 =	vmul.f32 v35, v10;
	v29 =	vld [tilespmem:s30+$0xFFFFFF70]  }
0xe5: {  	v30 =	vadd.s32 $0x10, v30;
	v32 =	vadd.s32 $0x10, v32;
	[tilespmem:s30+$0xFFFFFF10] =	vst v9;
	v9 =	vmul.f32 v37, v10;
	v10 =	vld [tilespmem:s30+$0xFFFFFF80]  }
0xe6: {  	v33 =	vadd.s32 $0x10, v33;
	v34 =	vadd.s32 $0x10, v34;
	[tilespmem:s30+$0xFFFFFF20] =	vst v27;
	v27 =	vmul.f32 v38, v8;
	v35 =	vld [tilespmem:s30+$0xFFFFFF90]  }
0xe7: {  	v18 =	vshll.u32 v18, v1;
	v36 =	vadd.s32 $0x10, v36;
	[tilespmem:s30+$0xFFFFFF30] =	vst v9;
	v8 =	vmul.f32 v39, v8;
	v9 =	vld [tilespmem:s30+$0xFFFFFFA0]  }
0xe8: {  	v20 =	vshrl.u32 v20, $0x3;
	v19 =	vshrl.u32 v19, $0x3;
	[tilespmem:s30+$0xFFFFFF40] =	vst v27;
	v27 =	vmul.f32 v31, v17;
	v31 =	vld [tilespmem:s30+$0xFFFFFFB0]  }
0xe9: {  	v21 =	vshrl.u32 v21, $0x3;
	v22 =	vshrl.u32 v22, $0x3;
	[tilespmem:s30+$0xFFFFFF50] =	vst v8;
	v8 =	vmul.f32 v29, v17;
	v17 =	vld [tilespmem:s30+$0xFFFFFFC0]  }
0xea: {  	v25 =	vshrl.u32 v25, $0x3;
	v24 =	vshrl.u32 v24, $0x3;
	[tilespmem:s30+$0xFFFFFF60] =	vst v27;
	v10 =	vmul.f32 v10, v16;
	v27 =	vld [tilespmem:s30+$0xFFFFFFD0]  }
0xeb: {  	v26 =	vshrl.u32 v26, $0x3;
	v23 =	vshrl.u32 v23, $0x3;
	[tilespmem:s30+$0xFFFFFF70] =	vst v8;
	v8 =	vmul.f32 v35, v16;
	v16 =	vld [tilespmem:s30+$0xFFFFFFE0]  }
0xec: {  	v28 =	vshrl.u32 v28, $0x3;
	v29 =	vshrl.u32 v30, $0x3;
	[tilespmem:s30+$0xFFFFFF80] =	vst v10;
	v9 =	vmul.f32 v9, v15;
	v10 =	vld [tilespmem:s30+$0xFFFFFFF0]  }
0xed: {  	v30 =	vshrl.u32 v32, $0x3;
	v32 =	vshrl.u32 v33, $0x3;
	[tilespmem:s30+$0xFFFFFF90] =	vst v8;
	v8 =	vmul.f32 v31, v15;
	v15 =	vld [tilespmem:s30+$0x0]  }
0xee: {  	v33 =	vshrl.u32 v36, $0x3;
	v31 =	vshrl.u32 v34, $0x3;
	[tilespmem:s30+$0xFFFFFFA0] =	vst v9;
	v9 =	vmul.f32 v17, v14;
	v17 =	vld [tilespmem:s30+$0x10]  }
0xef: {  	v20 =	vshll.u32 v20, v1;
	v18 =	vbroadcast v18, $0x0;
	[tilespmem:s30+$0xFFFFFFB0] =	vst v8;
	v8 =	vmul.f32 v27, v14;
	v14 =	vld [tilespmem:s30+$0x20]  }
0xf0: {  	v21 =	vshll.u32 v21, v1;
	v19 =	vshll.u32 v19, v1;
	[tilespmem:s30+$0xFFFFFFC0] =	vst v9;
	v9 =	vmul.f32 v16, v13;
	v16 =	vld [tilespmem:s30+$0x30]  }
0xf1: {  	v22 =	vshll.u32 v22, v1;
	v24 =	vshll.u32 v24, v1;
	[tilespmem:s30+$0xFFFFFFD0] =	vst v8;
	v8 =	vmul.f32 v10, v13;
	v10 =	vld [tilespmem:s30+$0x40]  }
0xf2: {  	v25 =	vshll.u32 v25, v1;
	v26 =	vshll.u32 v26, v1;
	[tilespmem:s30+$0xFFFFFFE0] =	vst v9;
	v9 =	vmul.f32 v15, v3;
	v15 =	vld [tilespmem:s30+$0x50]  }
0xf3: {  	v23 =	vshll.u32 v23, v1;
	v27 =	vshll.u32 v28, v1;
	[tilespmem:s30+$0xFFFFFFF0] =	vst v8;
	v3 =	vmul.f32 v17, v3;
	v8 =	vld [tilespmem:s30+$0x60]  }
0xf4: {  	v28 =	vshll.u32 v30, v1;
	v17 =	vshll.u32 v29, v1;
	[tilespmem:s30+$0x0] =	vst v9;
	v9 =	vmul.f32 v14, v12;
	v29 =	vld [tilespmem:s30+$0x70]  }
0xf5: {  	v13 =	vshll.u32 v31, v1;
	v14 =	vshll.u32 v32, v1;
	[tilespmem:s30+$0x10] =	vst v3;
	v3 =	vmul.f32 v16, v12;
	v16 =	vld [tilespmem:s30+$0x80]  }
0xf6: {  	v20 =	vbroadcast v20, $0x0;
	v12 =	vshll.u32 v33, v1;
	[tilespmem:s30+$0x20] =	vst v9;
	v9 =	vmul.f32 v10, v11;
	v10 =	vld [tilespmem:s30+$0x90]  }
0xf7: {  	v21 =	vadd.s32 $0x2, v21;
	v19 =	vadd.s32 $0x1, v19;
	[tilespmem:s30+$0x30] =	vst v3;
	v3 =	vmul.f32 v15, v11;
	v30 =	vld [tilespmem:s30+$0xA0]  }
0xf8: {  	v19 =	vbroadcast v19, $0x0;
	v11 =	vadd.s32 $0x3, v22;
	[tilespmem:s30+$0x40] =	vst v9;
	v8 =	vmul.f32 v8, v7;
	v22 =	vld [tilespmem:s30+$0xB0]  }
0xf9: {  	v21 =	vbroadcast v21, $0x0;
	v9 =	vadd.s32 $0x4, v24;
	[tilespmem:s30+$0x50] =	vst v3;
	v3 =	vmul.f32 v29, v7;
	v24 =	vld [tilespmem:s30+$0xC0]  }
0xfa: {  	v15 =	vadd.s32 $0x5, v25;
	v7 =	vbroadcast v11, $0x0;
	[tilespmem:s30+$0x60] =	vst v8;
	v8 =	vmul.f32 v16, v6;
	v25 =	vld [tilespmem:s30+$0xD0]  }
.Ltmp1:
0xfb: {  	v11 =	vbroadcast v9, $0x0;
	v16 =	vadd.s32 $0x6, v26;
	[tilespmem:s30+$0x70] =	vst v3;
	v10 =	vmul.f32 v10, v6;
	v6 =	vld [tilespmem:s30+$0xE0];
	(pc) =	sbr.rel @p0 .LBB2_5-.Ltmp1, $4  }
0xfc: {  	v23 =	vadd.s32 $0x7, v23;
	v15 =	vbroadcast v15, $0x0;
	v9 =	vld.idx.msk [tilespmem:v18+s25+$0x0], $0xffff;
	[tilespmem:s30+$0x80] =	vst v8;
	v8 =	vmul.f32 v30, v5  }
0xfd: {  	v26 =	vadd.s32 $0x1, v27;
	v18 =	vbroadcast v16, $0x0;
	v3 =	vld.idx.msk [tilespmem:v20+s25+$0x0], $0xffff;
	[tilespmem:s30+$0x90] =	vst v10;
	v22 =	vmul.f32 v22, v5  }
0xfe: {  	v5 =	vbroadcast v23, $0x0;
	v20 =	vadd.s32 $0x2, v17;
	v10 =	vld.idx.msk [tilespmem:v19+s25+$0x0], $0xffff;
	[tilespmem:s30+$0xA0] =	vst v8;
	v16 =	vmul.f32 v24, v4  }
0xff: {  	s0 =	sadd.s32 $0xF, s2;
	s2 =	sadd.s32 $0x10, s2;
	v19 =	vbroadcast v26, $0x0;
	v8 =	vld.idx.msk [tilespmem:v21+s25+$0x0], $0xffff;
	v21 =	vadd.s32 $0x3, v28;
	[tilespmem:s30+$0xB0] =	vst v22;
	v4 =	vmul.f32 v25, v4  }
0x100: {  	_ =	sdelay $0x3  }
0x101: {  	v7 =	vld.idx.msk [tilespmem:v7+s25+$0x0], $0xffff  }
0x102: {  	v11 =	vld.idx.msk [tilespmem:v11+s25+$0x0], $0xffff  }
0x103: {  	v15 =	vld.idx.msk [tilespmem:v15+s25+$0x0], $0xffff  }
0x104: {  	v18 =	vld.idx.msk [tilespmem:v18+s25+$0x0], $0xffff  }
0x105: {  	v5 =	vld.idx.msk [tilespmem:v5+s25+$0x0], $0xffff  }
0x106: {  	s2 =	sadd.s32 $0x200, s30;
	v19 =	vld.idx.msk [tilespmem:v19+s25+$0x0], $0xffff  }
0x107: {  	v22 =	vld [tilespmem:s2+$0xF0]  }
0x108: {  	v23 =	vld [tilespmem:s2+$0xFFFFFF00]  }
0x109: {  	v24 =	vld [tilespmem:s2+$0xFFFFFF10]  }
0x10a: {  	v25 =	vld [tilespmem:s2+$0xFFFFFF20]  }
0x10b: {  	v29 =	vld [tilespmem:s2+$0xFFFFFF30]  }
0x10c: {  	v30 =	vld [tilespmem:s2+$0xFFFFFF40]  }
0x10d: {  	v32 =	vld [tilespmem:s2+$0xFFFFFF50]  }
0x10e: {  	v34 =	vld [tilespmem:s2+$0xFFFFFF60]  }
0x10f: {  	v35 =	vld [tilespmem:s2+$0xFFFFFF70]  }
0x110: {  	v2 =	vmul.f32 v6, v2;
	v36 =	vld [tilespmem:s2+$0xFFFFFF80]  }
0x111: {  	[tilespmem:s30+$0xC0] =	vst v16;
	v37 =	vld [tilespmem:s2+$0xFFFFFF90]  }
0x112: {  	v28 =	vmov s0;
	v39 =	vld [tilespmem:s2+$0xFFFFFFA0];
	[tilespmem:s30+$0xE0] =	vst v2;
	v2 =	vmul.f32 v23, v9  }
0x113: {  	v17 =	vbroadcast v20, $0x0;
	v20 =	vadd.s32 $0x10, v28;
	[tilespmem:s30+$0xD0] =	vst v4;
	v40 =	vld [tilespmem:s2+$0xFFFFFFB0];
	v33 =	vmul.f32 v24, v9  }
0x114: {  	v42 =	vld [tilespmem:s2+$0xFFFFFFC0];
	v20 =	vshrl.u32 v20, $0x3;
	v6 =	vmul.f32 v29, v10;
	[tilespmem:s2+$0xFFFFFF00] =	vst v2  }
0x115: {  	v43 =	vld [tilespmem:s2+$0xFFFFFFD0];
	v20 =	vshll.u32 v20, v1;
	v2 =	vmul.f32 v25, v10;
	[tilespmem:s2+$0xFFFFFF10] =	vst v33  }
0x116: {  	v44 =	vld [tilespmem:s2+$0xFFFFFFE0];
	v20 =	vadd.s32 $0x7, v20;
	v38 =	vmul.f32 v32, v8;
	[tilespmem:s2+$0xFFFFFF30] =	vst v6  }
0x117: {  	v45 =	vld [tilespmem:s2+$0xFFFFFFF0];
	v20 =	vbroadcast v20, $0x0;
	[tilespmem:s2+$0xFFFFFF20] =	vst v2;
	v2 =	vmul.f32 v30, v8  }
0x118: {  	v47 =	vld [tilespmem:s2+$0x0];
	v41 =	vmul.f32 v35, v7;
	[tilespmem:s2+$0xFFFFFF50] =	vst v38  }
0x119: {  	v48 =	vld [tilespmem:s2+$0x10];
	[tilespmem:s2+$0xFFFFFF40] =	vst v2;
	v2 =	vmul.f32 v34, v7  }
0x11a: {  	v50 =	vld [tilespmem:s2+$0x20];
	v4 =	vmul.f32 v37, v11;
	[tilespmem:s2+$0xFFFFFF70] =	vst v41  }
0x11b: {  	v51 =	vld [tilespmem:s2+$0x30];
	[tilespmem:s2+$0xFFFFFF60] =	vst v2;
	v2 =	vmul.f32 v36, v11  }
0x11c: {  	v53 =	vld [tilespmem:s2+$0x40];
	v46 =	vmul.f32 v40, v15;
	[tilespmem:s2+$0xFFFFFF90] =	vst v4  }
0x11d: {  	v20 =	vld.idx.msk [tilespmem:v20+s25+$0x0], $0xffff;
	[tilespmem:s2+$0xFFFFFF80] =	vst v2;
	v2 =	vmul.f32 v39, v15  }
0x11e: {  	v21 =	vbroadcast v21, $0x0;
	v54 =	vld [tilespmem:s2+$0x50];
	v49 =	vmul.f32 v43, v18;
	[tilespmem:s2+$0xFFFFFFB0] =	vst v46  }
0x11f: {  	v14 =	vadd.s32 $0x4, v14;
	v55 =	vld [tilespmem:s2+$0x60];
	[tilespmem:s2+$0xFFFFFFA0] =	vst v2;
	v2 =	vmul.f32 v42, v18  }
0x120: {  	v14 =	vbroadcast v14, $0x0;
	v56 =	vld [tilespmem:s2+$0x70];
	v52 =	vmul.f32 v45, v5;
	[tilespmem:s2+$0xFFFFFFD0] =	vst v49  }
0x121: {  	v13 =	vadd.s32 $0x5, v13;
	v57 =	vld [tilespmem:s2+$0x80];
	[tilespmem:s2+$0xFFFFFFC0] =	vst v2;
	v2 =	vmul.f32 v44, v5  }
0x122: {  	v13 =	vbroadcast v13, $0x0;
	v17 =	vld.idx.msk [tilespmem:v17+s25+$0x0], $0xffff;
	[tilespmem:s2+$0xFFFFFFF0] =	vst v52;
	v31 =	vmul.f32 v22, v20  }
0x123: {  	v12 =	vadd.s32 $0x6, v12;
	v58 =	vld [tilespmem:s2+$0x90];
	[tilespmem:s2+$0xFFFFFFE0] =	vst v2;
	v2 =	vmul.f32 v47, v3  }
0x124: {  	v12 =	vbroadcast v12, $0x0;
	v21 =	vld.idx.msk [tilespmem:v21+s25+$0x0], $0xffff;
	[tilespmem:s2+$0xF0] =	vst v31;
	v3 =	vmul.f32 v48, v3  }
0x125: {  	v59 =	vld [tilespmem:s2+$0xA0];
	[tilespmem:s2+$0x0] =	vst v2;
	v2 =	vmul.f32 v50, v19  }
0x126: {  	v14 =	vld.idx.msk [tilespmem:v14+s25+$0x0], $0xffff;
	[tilespmem:s2+$0x10] =	vst v3;
	v3 =	vmul.f32 v51, v19  }
0x127: {  	v60 =	vld [tilespmem:s2+$0xB0];
	[tilespmem:s2+$0x20] =	vst v2;
	v2 =	vmul.f32 v53, v17  }
0x128: {  	v13 =	vld.idx.msk [tilespmem:v13+s25+$0x0], $0xffff;
	[tilespmem:s2+$0x30] =	vst v3;
	v3 =	vmul.f32 v54, v17  }
0x129: {  	v61 =	vld [tilespmem:s2+$0xC0];
	[tilespmem:s2+$0x40] =	vst v2;
	v2 =	vmul.f32 v55, v21  }
0x12a: {  	v12 =	vld.idx.msk [tilespmem:v12+s25+$0x0], $0xffff;
	[tilespmem:s2+$0x50] =	vst v3;
	v3 =	vmul.f32 v56, v21  }
0x12b: {  	v62 =	vld [tilespmem:s2+$0xD0];
	[tilespmem:s2+$0x60] =	vst v2;
	v2 =	vmul.f32 v57, v14  }
0x12c: {  	v63 =	vld [tilespmem:s2+$0xE0];
	[tilespmem:s2+$0x70] =	vst v3;
	v3 =	vmul.f32 v58, v14  }
0x12d: {  	[tilespmem:s2+$0x80] =	vst v2;
	v2 =	vmul.f32 v59, v13  }
0x12e: {  	[tilespmem:s2+$0x90] =	vst v3;
	v3 =	vmul.f32 v60, v13  }
0x12f: {  	[tilespmem:s2+$0xA0] =	vst v2;
	v2 =	vmul.f32 v61, v12  }
0x130: {  	[tilespmem:s2+$0xB0] =	vst v3;
	v3 =	vmul.f32 v62, v12  }
0x131: {  	s29 =	sadd.s32 $0x1, s29;
	[tilespmem:s2+$0xC0] =	vst v2;
	v2 =	vmul.f32 v63, v20  }
0x132: {  	p0 =	sne.s32 s29, $0x52;
	[tilespmem:s2+$0xD0] =	vst v3  }
.Ltmp2:
0x133: {  	[tilespmem:s2+$0xE0] =	vst v2;
	(pc) =	sbr.rel @p0 .LBB2_4-.Ltmp2, $4  }
0x134: {  	[spmem:s3] =	stream.indirect.scatter.add.f32 [tilespmem:s22], [sflag:$0x2], $0x20, s31, s21, $0xb8;
	[tilespmem:$0x17C90] =	vst v63  }
0x135: {  	_ =	swait.ge [sflag:s14], $0x1000  }
0x136: {  	[sflag:s14] =	ssyncset.done $0x0  }
0x137: {  	[sflag:s14] =	ssyncadd.s32 $0xFFFFF000  }
0x138: {  	[hbm4b:s11+s5] =	stream.linear.scatter [tilespmem:s23], [sflag:$0x2], $0x2800, $0x38;
	[tilespmem:$0x17C90] =	vst v63  }
0x139: {  	_ =	swait.ge [sflag:s14], $0x2800  }
0x13a: {  	s26 =	sadd.s32 $0x1, s26;
	[sflag:s14] =	ssyncset.done $0x0  }
0x13b: {  	p0 =	sne.s32 s26, s13;
	[sflag:s14] =	ssyncadd.s32 $0xFFFFD800  }
.Ltmp3:
0x13c: {  	[bflag:$0x0] =	sbarrier.arrive $0xFFFF;
	(pc) =	sbr.rel @p0 .LBB2_1-.Ltmp3, $4  }
0x13d: {  	[hbm:s12], [sflag:s18] =	dma.local [spmem:s19], $0xA00  }
0x13e: {  	_ =	swait.ge [sflag:s14], $0xA00  }
0x13f: {  	[sflag:s14] =	ssyncset.done $0x0  }
0x140: {  	[sflag:s14] =	ssyncadd.s32 $0xFFFFF600  }
0x141: {  	_ =	sfence.sel $0x180000  }
0x142: {  	[bflag:$0x0] =	sbarrier.arrive $0xFFFF  }
0x143: {  	_ =	strace $0x9000004A  }
0x144: {  	s0 =	stileid.u32;
	[bflag:$0x2] =	sbarrier.arrive $0xFFFF  }
0x145: {  	p0 =	sne.s32 s0, $0x0;
	s0 =	rddreg [dreg:$0x4]  }
0x146: {  	s0 =	sadd.s32 @!p0 $0x100000, s0  }
0x147: {  	[sflag:s0] =	ssyncadd.tile.s32 @!p0 $0x1;
	_ =	shalt  }
.Lfunc_end2:
_tile_overlayer_lowered:
.L_overlay_start_2:
0x148: {  	(tag) =	ssettag $0x2  }
0x149: {  	s0 =	rddreg [dreg:$0x0];
	s2 =	stileid.u32  }
0x14a: {  	s1 =	rddreg [dreg:$0x1];
	p0 =	sne.s32 s2, $0x0  }
0x14b: {  	s3 =	rddreg [dreg:$0x2];
	[bflag:$0x3] =	sbarrier.arrive $0xFFFF;
	s2 =	simm.s32 @!p0 $0x1C02  }
0x14c: {  	[timem:s3], [sflag:s2] =	dma.local @!p0 [hbm:s0], s1  }
0x14d: {  	s0 =	simm.s32 @!p0 $0x2  }
0x14e: {  	_ =	swait.ge @!p0 [sflag:s0], s1  }
0x14f: {  	s1 =	ssub.s32 @!p0 $0x0, s1;
	[sflag:s0] =	ssyncset.done @!p0 $0x0  }
0x150: {  	[sflag:s0] =	ssyncadd.s32 @!p0 s1  }
0x151: {  	[bflag:$0x3] =	sbarrier.arrive $0xFFFF  }
0x152: {  	_ =	shalt  }

// kernel: kernel.7.cloned.1.call-start
scs
__scs_entry_jumppad:
0x0: {  	(pc) =	sbr.rel $0x88, $3  }
0x1: {  	(tag) =	ssettag $0x0;
	lr =	simm.s32 $0x1  }
0x2: {  	[smem:$0x3F95] =	sst lr;
	_ =	strace $0xD0000000  }
0x3: {  	_ = 	snop  }
0x4: {  	_ = 	snop  }
0x5: {  	_ = 	snop  }
0x6: {  	_ = 	snop  }
0x7: {  	_ = 	snop  }
__scs_overlays_trampoline_lowered:
0x8: {  	[smem:$0x3FA4] =	sst s0  }
0x9: {  	[smem:$0x3FA5] =	sst s1  }
0xa: {  	[smem:$0x3FA6] =	sst s2  }
0xb: {  	[smem:$0x3FA7] =	sst s3  }
0xc: {  	[smem:$0x3FA8] =	sst s4  }
0xd: {  	[smem:$0x3FA9] =	sst s5  }
0xe: {  	[smem:$0x3FAA] =	sst s6  }
0xf: {  	[smem:$0x3FAB] =	sst s7  }
0x10: {  	[smem:$0x3FAC] =	sst s8  }
0x11: {  	[smem:$0x3FAD] =	sst s9;
	s0 =	simm.s32 @!p0 $0x0  }
0x12: {  	s1 =	sld [smem:$0x3F93];
	s0 =	simm.s32 @p0 $0x1  }
0x13: {  	[smem:$0x3FAE] =	sst s0;
	s0 =	simm.s32 @!p1 $0x0  }
0x14: {  	s2 =	sld [smem:$0x3F92];
	s0 =	simm.s32 @p1 $0x1  }
0x15: {  	[smem:$0x3FAF] =	sst s0;
	s0 =	simm.s32 @!p2 $0x0  }
0x16: {  	s3 =	sld [smem:$0x3FDB];
	s0 =	simm.s32 @p2 $0x1  }
0x17: {  	s4 =	simm.s32 $0x1BF5;
	[smem:$0x3FB1] =	sst s0  }
0x18: {  	s0 =	sld [smem:$0x3F94];
	_ =	swait.ge [sflag:s4], $0x0  }
0x19: {  	s7 =	sld [smem:$0x3F95]  }
0x1a: {  	s8 =	sadd.s32 $0xFFFFE003, lr  }
0x1b: {  	s9 =	sadd.s32 $0xFFFFFEF7, lr;
	s5 =	simm.s32 $0xFFFFFFFF;
	p2 =	slt.u32 s8, $0xFFFFF086  }
0x1c: {  	p1 =	slt.u32 s9, $0xF7A;
	s5 =	simm.s32 @!p2 $0x0  }
0x1d: {  	s5 =	simm.s32 @p1 $0x1;
	p0 =	seq.s32 s7, s2  }
0x1e: {  	s7 =	smul.u32 @!p0 $0xF7A, s2;
	p2 =	seq.s32 @!p0 s5, $0x0  }
0x1f: {  	s9 =	smul.u32 $0xF7A, s1;
	s8 =	simm.s32 @!p0 $0x1BF5;
	p2 =	por !p2, p0  }
0x20: {  	[sflag:s8] =	ssyncset.s32 @!p0 $0xFFFFF086;
	s6 =	sadd.s32 @!p0 s3, s7;
	s7 =	simm.s32 @!p0 $0x108  }
0x21: {  	s3 =	sadd.s32 s3, s9;
	s6 =	sadd.s32 @!p0 $0x88, s6;
	s7 =	simm.s32 @p2 $0x1082  }
0x22: {  	[simem:s7], [sflag:s8] =	dma.local @!p0 [hbm:s6], $0xF7A  }
0x23: {  	s9 =	sor.u32 $0xD0000000, s2;
	s6 =	simm.s32 $0x108;
	_ =	swait.ge @!p0 [sflag:s8], $0x0  }
0x24: {  	s3 =	sadd.s32 $0x88, s3;
	s6 =	simm.s32 @!p1 $0x1082;
	[sflag:s4] =	ssyncset.s32 $0xFFFFF086  }
0x25: {  	[simem:s6], [sflag:s4] =	dma.local [hbm:s3], $0xF7A  }
0x26: {  	[smem:$0x3F95] =	sst s1;
	(tag) =	ssettag s2;
	_ =	strace s9  }
0x27: {  	s1 =	sld [smem:$0x3FA5]  }
0x28: {  	s2 =	sld [smem:$0x3FA6]  }
0x29: {  	s4 =	sld [smem:$0x3FA8]  }
0x2a: {  	p0 =	seq.s32 s5, $0x0;
	s5 =	sld [smem:$0x3FA9]  }
0x2b: {  	s6 =	sld [smem:$0x3FAA]  }
0x2c: {  	s7 =	sld [smem:$0x3FAB]  }
0x2d: {  	s3 =	simm.s32 $0x108;
	s8 =	sld [smem:$0x3FAC]  }
0x2e: {  	s3 =	simm.s32 @!p0 $0x1082;
	s9 =	sld [smem:$0x3FAD]  }
0x2f: {  	lr =	sadd.s32 s0, s3;
	s0 =	sld [smem:$0x3FA4]  }
0x30: {  	s3 =	sld [smem:$0x3FA7]  }
0x31: {  	[smem:$0x3FB0] =	sst s10  }
0x32: {  	s10 =	sld [smem:$0x3FAE];
	_ =	sdelay $0x3  }
0x33: {  	p0 =	seq.s32 s10, $0x1;
	s10 =	sld [smem:$0x3FB0];
	_ =	sdelay $0x3  }
0x34: {  	[smem:$0x3FB0] =	sst s10  }
0x35: {  	s10 =	sld [smem:$0x3FAF];
	_ =	sdelay $0x3  }
0x36: {  	p1 =	seq.s32 s10, $0x1;
	s10 =	sld [smem:$0x3FB0];
	_ =	sdelay $0x3  }
0x37: {  	[smem:$0x3FB0] =	sst s10  }
0x38: {  	s10 =	sld [smem:$0x3FB1]  }
0x39: {  	_ = 	snop;
	(pc) =	sbr.ind lr, $3  }
0x3a: {  	_ = 	snop  }
0x3b: {  	_ = 	snop  }
0x3c: {  	p2 =	seq.s32 s10, $0x1;
	s10 =	sld [smem:$0x3FB0]  }
0x3d: {  	_ =	shalt  }
0x3e: {  	_ =	shalt  }
0x3f: {  	_ =	shalt  }
0x40: {  	_ =	shalt  }
0x41: {  	_ =	shalt  }
0x42: {  	_ =	shalt  }
0x43: {  	_ =	shalt  }
0x44: {  	_ =	shalt  }
0x45: {  	_ =	shalt  }
0x46: {  	_ =	shalt  }
0x47: {  	_ =	shalt  }
0x48: {  	_ =	shalt  }
0x49: {  	_ =	shalt  }
0x4a: {  	_ =	shalt  }
0x4b: {  	_ =	shalt  }
0x4c: {  	_ =	shalt  }
0x4d: {  	_ =	shalt  }
0x4e: {  	_ =	shalt  }
0x4f: {  	_ =	shalt  }
0x50: {  	_ =	shalt  }
0x51: {  	_ =	shalt  }
0x52: {  	_ =	shalt  }
0x53: {  	_ =	shalt  }
0x54: {  	_ =	shalt  }
0x55: {  	_ =	shalt  }
0x56: {  	_ =	shalt  }
0x57: {  	_ =	shalt  }
0x58: {  	_ =	shalt  }
0x59: {  	_ =	shalt  }
0x5a: {  	_ =	shalt  }
0x5b: {  	_ =	shalt  }
0x5c: {  	_ =	shalt  }
0x5d: {  	_ =	shalt  }
0x5e: {  	_ =	shalt  }
0x5f: {  	_ =	shalt  }
0x60: {  	_ =	shalt  }
0x61: {  	_ =	shalt  }
0x62: {  	_ =	shalt  }
0x63: {  	_ =	shalt  }
0x64: {  	_ =	shalt  }
0x65: {  	_ =	shalt  }
0x66: {  	_ =	shalt  }
0x67: {  	_ =	shalt  }
0x68: {  	_ =	shalt  }
0x69: {  	_ =	shalt  }
0x6a: {  	_ =	shalt  }
0x6b: {  	_ =	shalt  }
0x6c: {  	_ =	shalt  }
0x6d: {  	_ =	shalt  }
0x6e: {  	_ =	shalt  }
0x6f: {  	_ =	shalt  }
0x70: {  	_ =	shalt  }
0x71: {  	_ =	shalt  }
0x72: {  	_ =	shalt  }
0x73: {  	_ =	shalt  }
0x74: {  	_ =	shalt  }
0x75: {  	_ =	shalt  }
0x76: {  	_ =	shalt  }
0x77: {  	_ =	shalt  }
0x78: {  	_ =	shalt  }
0x79: {  	_ =	shalt  }
0x7a: {  	_ =	shalt  }
0x7b: {  	_ =	shalt  }
0x7c: {  	_ =	shalt  }
0x7d: {  	_ =	shalt  }
0x7e: {  	_ =	shalt  }
0x7f: {  	_ =	shalt  }
0x80: {  	_ =	shalt  }
0x81: {  	_ =	shalt  }
0x82: {  	_ =	shalt  }
0x83: {  	_ =	shalt  }
0x84: {  	_ =	shalt  }
0x85: {  	_ =	shalt  }
0x86: {  	_ =	shalt  }
0x87: {  	_ =	shalt  }
.Lfunc_end0:
.L_simem_size_0:
called_computation_lowered:
.L_overlay_start_0:
0x88: {  	s2 =	sld [smem:$0x3FD9]  }
0x89: {  	s3 =	sld [smem:$0x3FFE];
	_ =	sdelay $0x1  }
0x8a: {  	s1 =	srdreg.scid  }
0x8b: {  	s0 =	sand.u32 $0x1, s1  }
0x8c: {  	s17 =	sshll.u32 s0, $0xA;
	s2 =	sadd.s32 s3, s2  }
0x8d: {  	s2 =	sadd.s32 s2, s17  }
0x8e: {  	[smem:$0x3FBC] =	sst s2  }
0x8f: {  	_ = 	snop  }
0x90: {  	s2 =	sld [smem:$0x3FD0];
	(tm) =	ssettm $0x1  }
0x91: {  	s18 =	sld [smem:$0x3FFB];
	_ =	sdelay $0x3  }
0x92: {  	_ =	strace s18  }
0x93: {  	s3 =	sld [smem:$0x3FFC];
	_ =	sdelay $0x3  }
0x94: {  	_ =	strace s3  }
0x95: {  	s3 =	sld [smem:$0x3FFD];
	_ =	sdelay $0x3  }
0x96: {  	_ =	strace s3  }
0x97: {  	_ =	strace $0x8FFFFFFF  }
0x98: {  	s19 =	sld [smem:$0x3FDB];
	_ =	sdelay $0x1  }
0x99: {  	s4 =	simm.s32 $_scs_section_size  }
0x9a: {  	s5 =	simm.s32 $_size__tile_overlayer_lowered;
	s6 =	simm.s32 $_tile_overlayer_lowered  }
0x9b: {  	s22 =	simm.s32 $0x1BFF;
	s21 =	sshll.u32 s6, $0x1;
	s3 =	sadd.s32 s4, s19  }
0x9c: {  	s7 =	simm.s32 $0x0;
	s20 =	sshll.u32 s5, $0x1;
	s5 =	sadd.s32 s21, s3  }
0x9d: {  	[timem:s7], [sflag:s22] =	dma.local [hbm:s5], s20  }
0x9e: {  	_ =	swait.ge [sflag:s22], s20  }
0x9f: {  	s4 =	ssub.s32 $0x0, s20;
	[sflag:s22] =	ssyncset.done $0x0  }
0xa0: {  	[sflag:s22] =	ssyncadd.s32 s4;
	_ =	sdelay $0x1  }
0xa1: {  	s23 =	simm.s32 $0x1B8B  }
0xa2: {  	_ =	swait.ge [sflag:s23], $0x1  }
0xa3: {  	[sflag:s23] =	ssyncset.done $0x0  }
0xa4: {  	s25 =	simm.s32 $0x1B8E;
	s24 =	sld [smem:$0x3FFE];
	[sflag:s23] =	ssyncadd.s32 $0xFFFFFFFF  }
0xa5: {  	s26 =	simm.s32 $execute0_lowered;
	[smem:$0x3FD2] =	sst s25  }
0xa6: {  	s5 =	sshll.u32 s26, $0x1;
	_ =	strace $0x80000046;
	[dreg:$0x1] =	wrdreg $0xFFFFFFFF  }
0xa7: {  	s28 =	simm.s32 $_size_execute0_lowered;
	s3 =	sadd.s32 s3, s5;
	[dreg:$0x0] =	wrdreg $0x0  }
0xa8: {  	s5 =	sshll.u32 s28, $0x1;
	[dreg:$0x2] =	wrdreg s3  }
0xa9: {  	[dreg:$0x3] =	wrdreg s5  }
0xaa: {  	[dreg:$0x4] =	wrdreg $0xC0  }
0xab: {  	_ =	task [dreg:s7], $0x5FFFF  }
0xac: {  	[dreg:$0x1] =	wrdreg $0xFFFFFFFF  }
0xad: {  	[dreg:$0x0] =	wrdreg $0x60  }
0xae: {  	[dreg:$0x2] =	wrdreg s24  }
0xaf: {  	[dreg:$0x3] =	wrdreg s2  }
0xb0: {  	[dreg:$0x4] =	wrdreg $0xDC900  }
0xb1: {  	[dreg:$0x5] =	wrdreg $0x12C900  }
0xb2: {  	[dreg:$0x6] =	wrdreg $0x9  }
0xb3: {  	_ =	task.clear_ibuf [dreg:s7], $0x7FFFF;
	_ =	strace $0x90000046  }
0xb4: {  	s29 =	simm.s32 $0x9;
	_ =	strace $0x80000048  }
0xb5: {  	_ =	swait.ge [sflag:s29], $0x1  }
0xb6: {  	[sflag:s29] =	ssyncadd.s32 $0xFFFFFFFF  }
0xb7: {  	_ =	strace $0x90000048  }
0xb8: {  	_ =	sfence  }
0xb9: {  	s30 =	sld [smem:$0x0];
	_ =	sdelay $0x2  }
0xba: {  	s31 =	sshll.u32 s1, $0xD;
	s1 =	sshrl.u32 s1, $0x2  }
0xbb: {  	s3 =	sand.u32 $0x4000, s31;
	s1 =	sadd.s32 s1, s30  }
0xbc: {  	s0 =	sor.u32 s3, s0;
	s1 =	sshll.u32 s1, $0x11  }
0xbd: {  	s0 =	sor.u32 s1, s0  }
0xbe: {  	s0 =	sadd.s32 $0x8F2B, s0  }
0xbf: {  	[sflag:s0] =	ssyncadd.remote.s32 $0x1  }
0xc0: {  	_ =	sfence.sel $0xFFFF  }
0xc1: {  	[dreg:$0x0] =	wrdreg $0xFFFFFFFF;
	(pc) =	sbr.abs _section_cstart, $3  }
0xc2: {  	[dreg:$0x1] =	wrdreg $0xFFFFFFFF  }
0xc3: {  	_ =	task.clear_ibuf [dreg:s7], $0x2FFFF;
	_ =	strace $0x9FFFFFFF  }
0xc4: {  	(tm) =	ssettm $0x7FFFFFFF  }
0xc5: {  	_ =	shalt  }
tec
execute0_lowered:
.L_overlay_start_1:
0x0: {  	(tag) =	ssettag $0x1  }
0x1: {  	s1 =	stileid.u32;
	s2 =	rddreg [dreg:$0x0]  }
0x2: {  	s0 =	srdreg.scid;
	s14 =	rddreg [dreg:$0x1];
	s5 =	simm.s32 $0x0  }
0x3: {  	s16 =	simm.s32 $0x5400;
	s17 =	simm.s32 $0x7C00;
	s21 =	simm.s32 $0x80  }
0x4: {  	s22 =	simm.s32 $0xA400;
	s23 =	simm.s32 $0xB490;
	s24 =	simm.s32 $0x1  }
0x5: {  	s25 =	simm.s32 $0xB400;
	s26 =	simm.s32 $0x0;
	s0 =	sand.u32 $0x1, s0  }
0x6: {  	s3 =	sshll.u32 s1, $0x1;
	s10 =	smul.u32 $0x5000, s1;
	[smem:$0x7FF] =	sst s5  }
0x7: {  	s11 =	smul.u32 $0x2800, s1;
	s29 =	sadd.s32 $0x21A00, s2;
	s31 =	sshll.u32 s1, $0x6  }
0x8: {  	s4 =	sor.u32 s0, s3;
	s3 =	rddreg [dreg:$0x2];
	s7 =	smul.u32 $0x50000, s0  }
0x9: {  	s8 =	smul.u32 $0x28000, s0;
	s0 =	ssub.s32 $0x2, s0;
	s18 =	sor.u32 $0x1C02, s31  }
0xa: {  	s6 =	smul.u32 $0x540, s4;
	s4 =	rddreg [dreg:$0x3];
	s9 =	sshrl.u32 s10, $0x3  }
0xb: {  	_ =	strace $0x80000047;
	[dreg:$0x5] =	wrdreg s29;
	s30 =	sshrl.u32 s0, $0x1  }
0xc: {  	s19 =	sadd.s32 s10, s3;
	s12 =	sadd.s32 s9, s2;
	s7 =	sadd.s32 s10, s7  }
0xd: {  	s8 =	sadd.s32 s11, s8;
	s0 =	ssub.s32 s0, s30;
	s9 =	sadd.s32 $0x500, s14  }
0xe: {  	s20 =	sadd.s32 s10, s4;
	s14 =	simm.s32 $0x2;
	s19 =	sshrl.u32 s19, $0x3  }
0xf: {  	s28 =	sadd.s32 s6, s2;
	s7 =	sshrl.u32 s7, $0x3;
	s8 =	sshrl.u32 s8, $0x3  }
0x10: {  	s10 =	sadd.s32 $0x17A00, s12;
	s20 =	sshrl.u32 s20, $0x3;
	s13 =	sadd.s32 s7, s2  }
0x11: {  	v1 =	vimm.s32 $0x0;
	vm0 =	vcmask $0x300;
	s2 =	sadd.s32 s8, s2;
	s7 =	sadd.s32 $0x2A00, s28;
	s8 =	sadd.s32 $0xD200, s28  }
0x12: {  	v0 =	vimm.f32 $0.0e+00;
	v1 =	vsel vm0, $0x3, v1;
	s11 =	sadd.s32 $0x22400, s2;
	s12 =	sadd.s32 $0x2C400, s13;
	s13 =	smax.u32 s0, $0x1  }
.LBB2_1:
0x13: {  	[tilespmem:s5], [sflag:$0x2] =	stream.linear.gather [hbm4b:s7+s5], $0x2A00, $0x38;
	[tilespmem:$0x17C90] =	vst v63  }
0x14: {  	_ =	swait.ge [sflag:s14], $0x2A00  }
0x15: {  	[sflag:s14] =	ssyncset.done $0x0  }
0x16: {  	s0 =	simm.s32 $0x2A00;
	[sflag:s14] =	ssyncadd.s32 $0xFFFFD600  }
0x17: {  	[tilespmem:s0], [sflag:$0x2] =	stream.linear.gather [hbm4b:s8+s5], $0x2A00, $0x38;
	[tilespmem:$0x17C90] =	vst v63  }
0x18: {  	_ =	swait.ge [sflag:s14], $0x2A00  }
0x19: {  	[sflag:s14] =	ssyncset.done $0x0  }
0x1a: {  	[sflag:s14] =	ssyncadd.s32 $0xFFFFD600  }
0x1b: {  	s31 =	rddreg [dreg:$0x1]  }
0x1c: {  	[tilespmem:s16], [sflag:$0x2] =	stream.linear.gather [hbm4b:s31+s5], $0x2800, $0x38;
	[tilespmem:$0x17C90] =	vst v63  }
0x1d: {  	_ =	swait.ge [sflag:s14], $0x2800  }
0x1e: {  	[sflag:s14] =	ssyncset.done $0x0  }
0x1f: {  	[sflag:s14] =	ssyncadd.s32 $0xFFFFD800  }
0x20: {  	[tilespmem:s17], [sflag:$0x2] =	stream.linear.gather [hbm4b:s9+s5], $0x2800, $0x38;
	[tilespmem:$0x17C90] =	vst v63  }
0x21: {  	_ =	swait.ge [sflag:s14], $0x2800  }
0x22: {  	[sflag:s14] =	ssyncset.done $0x0  }
0x23: {  	s2 =	simm.s32 $0xB4D0;
	[sflag:s14] =	ssyncadd.s32 $0xFFFFD800  }
0x24: {  	[tilespmem:s2+$0xFFFFFFC0] =	vst v0  }
0x25: {  	[tilespmem:s2+$0x30] =	vst v0  }
0x26: {  	[tilespmem:s2+$0x20] =	vst v0  }
0x27: {  	[tilespmem:s2+$0x10] =	vst v0  }
0x28: {  	[tilespmem:s2+$0x0] =	vst v0  }
0x29: {  	[tilespmem:s2+$0xFFFFFFF0] =	vst v0  }
0x2a: {  	s28 =	simm.s32 $0x0;
	[tilespmem:s2+$0xFFFFFFE0] =	vst v0  }
.LBB2_2:
0x2b: {  	s28 =	sadd.s32 $0x80, s28;
	[tilespmem:s2+$0xFFFFFFD0] =	vst v0;
	s2 =	sadd.s32 $0x80, s2  }
0x2c: {  	[tilespmem:s2+$0xFFFFFFC0] =	vst v0;
	p0 =	slt.u32 s28, $0x2780  }
0x2d: {  	[tilespmem:s2+$0x30] =	vst v0  }
.Ltmp0:
0x2e: {  	[tilespmem:s2+$0x20] =	vst v0;
	(pc) =	sbr.rel @p0 .LBB2_2-.Ltmp0, $4  }
0x2f: {  	[tilespmem:s2+$0x10] =	vst v0  }
0x30: {  	[tilespmem:s2+$0x0] =	vst v0  }
0x31: {  	[tilespmem:s2+$0xFFFFFFF0] =	vst v0  }
0x32: {  	[tilespmem:s2+$0xFFFFFFE0] =	vst v0  }
0x33: {  	[tilespmem:s2+$0xFFFFFFD0] =	vst v0  }
0x34: {  	s0 =	rddreg [dreg:$0x5]  }
0x35: {  	[spmem:s19], [sflag:s18] =	dma.local [hbm:s0], $0xA00  }
0x36: {  	_ =	swait.ge [sflag:s14], $0xA00  }
0x37: {  	[sflag:s14] =	ssyncset.done $0x0  }
0x38: {  	[sflag:s14] =	ssyncadd.s32 $0xFFFFF600  }
0x39: {  	[spmem:s20], [sflag:s18] =	dma.local [hbm:s10], $0xA00  }
0x3a: {  	_ =	swait.ge [sflag:s14], $0xA00  }
0x3b: {  	[sflag:s14] =	ssyncset.done $0x0  }
0x3c: {  	[sflag:s14] =	ssyncadd.s32 $0xFFFFF600  }
0x3d: {  	s28 =	simm.s32 $0x0;
	s29 =	simm.s32 $0x0;
	[bflag:$0x0] =	sbarrier.arrive $0xFFFF  }
.LBB2_4:
0x3e: {  	s31 =	sshll.u32 s29, $0x7  }
0x3f: {  	[tilespmem:s22], [sflag:$0x1] =	stream.indirect.gather [spmem:s4], $0x20, s31, s21, $0xb8;
	[tilespmem:$0x17C90] =	vst v63  }
0x40: {  	v2 =	vld [tilespmem:s31+$0x0]  }
0x41: {  	v3 =	vld [tilespmem:s31+$0x2A00]  }
0x42: {  	v4 =	vld [tilespmem:s31+$0x10]  }
0x43: {  	v5 =	vld [tilespmem:s31+$0x2A10]  }
0x44: {  	v6 =	vld [tilespmem:s31+$0x20]  }
0x45: {  	v7 =	vld [tilespmem:s31+$0x2A20]  }
0x46: {  	v8 =	vld [tilespmem:s31+$0x30]  }
0x47: {  	v9 =	vld [tilespmem:s31+$0x2A30]  }
0x48: {  	v10 =	vld [tilespmem:s31+$0x40]  }
0x49: {  	v11 =	vld [tilespmem:s31+$0x2A40]  }
0x4a: {  	v12 =	vld [tilespmem:s31+$0x50]  }
0x4b: {  	v13 =	vld [tilespmem:s31+$0x2A50]  }
0x4c: {  	v14 =	vld [tilespmem:s31+$0x60]  }
0x4d: {  	v15 =	vld [tilespmem:s31+$0x2A60]  }
0x4e: {  	v16 =	vld [tilespmem:s31+$0x70]  }
0x4f: {  	v17 =	vld [tilespmem:s31+$0x2A70]  }
0x50: {  	v2 =	vld.idx.msk [tilespmem:v2+s16+$0x0], $0xffff  }
0x51: {  	v3 =	vld.idx.msk [tilespmem:v3+s17+$0x0], $0xffff  }
0x52: {  	v4 =	vld.idx.msk [tilespmem:v4+s16+$0x0], $0xffff  }
0x53: {  	v5 =	vld.idx.msk [tilespmem:v5+s17+$0x0], $0xffff  }
0x54: {  	v6 =	vld.idx.msk [tilespmem:v6+s16+$0x0], $0xffff  }
0x55: {  	v7 =	vld.idx.msk [tilespmem:v7+s17+$0x0], $0xffff  }
0x56: {  	v8 =	vld.idx.msk [tilespmem:v8+s16+$0x0], $0xffff  }
0x57: {  	v9 =	vld.idx.msk [tilespmem:v9+s17+$0x0], $0xffff  }
0x58: {  	v10 =	vld.idx.msk [tilespmem:v10+s16+$0x0], $0xffff  }
0x59: {  	v11 =	vld.idx.msk [tilespmem:v11+s17+$0x0], $0xffff  }
0x5a: {  	v2 =	vadd.f32 v3, v2;
	v3 =	vld.idx.msk [tilespmem:v12+s16+$0x0], $0xffff  }
0x5b: {  	v4 =	vadd.f32 v5, v4;
	v5 =	vld.idx.msk [tilespmem:v13+s17+$0x0], $0xffff  }
0x5c: {  	v6 =	vadd.f32 v7, v6;
	v7 =	vld.idx.msk [tilespmem:v14+s16+$0x0], $0xffff;
	v12 =	vmul.f32 $2.000000030e-01, v2  }
0x5d: {  	v14 =	vld.idx.msk [tilespmem:v15+s17+$0x0], $0xffff;
	v13 =	vmul.f32 $2.000000030e-01, v4  }
0x5e: {  	v15 =	vld.idx.msk [tilespmem:v16+s16+$0x0], $0xffff;
	v2 =	vmax.f32 v2, v12;
	v12 =	vmul.f32 $2.000000030e-01, v6  }
0x5f: {  	v4 =	vmax.f32 v4, v13;
	v13 =	vld.idx.msk [tilespmem:v17+s17+$0x0], $0xffff;
	v2 =	vmul.f32 $1.442695020e+00, v2  }
0x60: {  	v8 =	vadd.f32 v9, v8;
	v4 =	vmul.f32 $1.442695020e+00, v4;
	v6 =	vmax.f32 v6, v12  }
0x61: {  	(erf) = vpow2.f32 v2;
	v2 =	vmul.f32 $1.442695020e+00, v6;
	v6 =	vadd.f32 v11, v10  }
0x62: {  	v3 =	vadd.f32 v5, v3;
	(erf) = vpow2.f32 v4;
	v4 =	vmul.f32 $2.000000030e-01, v8  }
0x63: {  	v5 =	vadd.f32 v14, v7;
	(erf) = vpow2.f32 v2;
	v2 =	vmul.f32 $2.000000030e-01, v6  }
0x64: {  	v7 =	vmul.f32 $2.000000030e-01, v3;
	v4 =	vmax.f32 v8, v4;
	v8 =	vadd.f32 v13, v15  }
0x65: {  	v4 =	vmul.f32 $1.442695020e+00, v4;
	v2 =	vmax.f32 v6, v2;
	v6 =	vmul.f32 $2.000000030e-01, v5  }
0x66: {  	v3 =	vmax.f32 v3, v7;
	v2 =	vmul.f32 $1.442695020e+00, v2;
	v7 =	vmul.f32 $2.000000030e-01, v8  }
0x67: {  	v3 =	vmul.f32 $1.442695020e+00, v3;
	(erf) = vpow2.f32 v4;
	v4 =	vmax.f32 v5, v6  }
0x68: {  	(erf) = vpow2.f32 v2;
	v2 =	vmul.f32 $1.442695020e+00, v4;
	v4 =	vmax.f32 v8, v7  }
0x69: {  	(erf) = vpow2.f32 v3;
	v3 =	vmul.f32 $1.442695020e+00, v4  }
0x6a: {  	(erf) = vpow2.f32 v2  }
0x6b: {  	(erf) = vpow2.f32 v3;
	_ =	sdelay $0x1  }
0x6c: {  	v2 =	vpop (erf)  }
0x6d: {  	v3 =	vpop (erf);
	[tilespmem:$0xB410] =	vst v2  }
0x6e: {  	v4 =	vpop (erf);
	[tilespmem:$0xB420] =	vst v3  }
0x6f: {  	[tilespmem:$0xB430] =	vst v4;
	v3 =	vpop (erf)  }
0x70: {  	v4 =	vpop (erf);
	[tilespmem:$0xB440] =	vst v3  }
0x71: {  	v3 =	vpop (erf);
	[tilespmem:$0xB450] =	vst v4  }
0x72: {  	v4 =	vpop (erf);
	[tilespmem:$0xB460] =	vst v3  }
0x73: {  	[tilespmem:$0xB470] =	vst v4;
	v3 =	vpop (erf)  }
0x74: {  	[tilespmem:$0xB480] =	vst v3  }
0x75: {  	v3 =	vld [tilespmem:s31+$0x2A00];
	_ =	sdelay $0x7  }
0x76: {  	[tilespmem:v3+s23+$0x0] =	vst.idx.add.f32.msk $0xffff, v2  }
0x77: {  	v2 =	vld [tilespmem:s31+$0x2A10];
	_ =	sdelay $0x2  }
0x78: {  	v3 =	vld [tilespmem:$0xB420];
	_ =	sdelay $0x4  }
0x79: {  	[tilespmem:v2+s23+$0x0] =	vst.idx.add.f32.msk $0xffff, v3  }
0x7a: {  	v2 =	vld [tilespmem:s31+$0x2A20];
	_ =	sdelay $0x2  }
0x7b: {  	v3 =	vld [tilespmem:$0xB430];
	_ =	sdelay $0x4  }
0x7c: {  	[tilespmem:v2+s23+$0x0] =	vst.idx.add.f32.msk $0xffff, v3  }
0x7d: {  	v2 =	vld [tilespmem:s31+$0x2A30];
	_ =	sdelay $0x2  }
0x7e: {  	v3 =	vld [tilespmem:$0xB440];
	_ =	sdelay $0x4  }
0x7f: {  	[tilespmem:v2+s23+$0x0] =	vst.idx.add.f32.msk $0xffff, v3  }
0x80: {  	v2 =	vld [tilespmem:s31+$0x2A40];
	_ =	sdelay $0x2  }
0x81: {  	v3 =	vld [tilespmem:$0xB450];
	_ =	sdelay $0x4  }
0x82: {  	[tilespmem:v2+s23+$0x0] =	vst.idx.add.f32.msk $0xffff, v3  }
0x83: {  	v2 =	vld [tilespmem:s31+$0x2A50];
	_ =	sdelay $0x2  }
0x84: {  	v3 =	vld [tilespmem:$0xB460];
	_ =	sdelay $0x4  }
0x85: {  	[tilespmem:v2+s23+$0x0] =	vst.idx.add.f32.msk $0xffff, v3  }
0x86: {  	s6 =	simm.s32 $0x5;
	v5 =	vld [tilespmem:s31+$0x2A60]  }
0x87: {  	v9 =	vmov s6  }
0x88: {  	v9 =	vadd.s32 $0x10, v9  }
0x89: {  	s6 =	simm.s32 $0x9;
	v9 =	vshrl.u32 v9, $0x3;
	v15 =	vld [tilespmem:$0xB470]  }
0x8a: {  	s15 =	simm.s32 $0x6;
	v9 =	vshll.u32 v9, v1;
	v12 =	vmov s6  }
0x8b: {  	v9 =	vadd.s32 $0x5, v9;
	s6 =	simm.s32 $0xC;
	v10 =	vmov s15;
	v12 =	vadd.s32 $0x10, v12  }
0x8c: {  	s15 =	simm.s32 $0xA;
	v16 =	vmov s6;
	v10 =	vadd.s32 $0x10, v10;
	v12 =	vshrl.u32 v12, $0x3  }
0x8d: {  	v10 =	vshrl.u32 v10, $0x3;
	v12 =	vshll.u32 v12, v1;
	v13 =	vmov s15;
	s15 =	simm.s32 $0xD  }
0x8e: {  	s2 =	simm.s32 $0x8;
	v10 =	vshll.u32 v10, v1;
	v17 =	vmov s15;
	v13 =	vadd.s32 $0x10, v13;
	[tilespmem:v5+s23+$0x0] =	vst.idx.add.f32.msk $0xffff, v15  }
0x8f: {  	s30 =	simm.s32 $0x2;
	v13 =	vshrl.u32 v13, $0x3;
	v3 =	vmov s2;
	s2 =	simm.s32 $0x4;
	v5 =	vadd.s32 $0x10, v16;
	v16 =	vld [tilespmem:s31+$0x2A70]  }
0x90: {  	s1 =	simm.s32 $0x3;
	v6 =	vmov s30;
	v4 =	vmov s28;
	v8 =	vmov s2;
	s2 =	simm.s32 $0xE  }
0x91: {  	s0 =	simm.s32 $0x1;
	v7 =	vmov s1;
	v2 =	vadd.s32 $0x10, v4;
	v18 =	vmov s2  }
0x92: {  	v4 =	vmov s0;
	v15 =	vadd.s32 $0x10, v17;
	v17 =	vadd.s32 $0x10, v18;
	v18 =	vld [tilespmem:$0xB480]  }
0x93: {  	v2 =	vshrl.u32 v2, $0x3;
	v3 =	vadd.s32 $0x10, v3;
	v4 =	vadd.s32 $0x10, v4  }
0x94: {  	v2 =	vshll.u32 v2, v1;
	v4 =	vshrl.u32 v4, $0x3;
	v3 =	vshrl.u32 v3, $0x3  }
0x95: {  	v2 =	vbroadcast v2, $0x0;
	v3 =	vshll.u32 v3, v1;
	v4 =	vshll.u32 v4, v1  }
0x96: {  	v6 =	vadd.s32 $0x10, v6;
	v3 =	vbroadcast v3, $0x0;
	v4 =	vadd.s32 $0x1, v4  }
0x97: {  	v6 =	vshrl.u32 v6, $0x3;
	s0 =	simm.s32 $0x7;
	v8 =	vadd.s32 $0x10, v8;
	v4 =	vbroadcast v4, $0x0;
	[tilespmem:v16+s23+$0x0] =	vst.idx.add.f32.msk $0xffff, v18  }
0x98: {  	v6 =	vshll.u32 v6, v1;
	v11 =	vmov s0;
	v8 =	vshrl.u32 v8, $0x3;
	_ =	swait.ge [sflag:s24], $0x1000  }
0x99: {  	v6 =	vadd.s32 $0x2, v6;
	v11 =	vadd.s32 $0x10, v11;
	v8 =	vshll.u32 v8, v1;
	[sflag:s24] =	ssyncset.done $0x0  }
0x9a: {  	v11 =	vshrl.u32 v11, $0x3;
	v16 =	vbroadcast v6, $0x0;
	v6 =	vadd.s32 $0x4, v8;
	[sflag:s24] =	ssyncadd.s32 $0xFFFFF000  }
0x9b: {  	v8 =	vshll.u32 v13, v1;
	v13 =	vbroadcast v6, $0x0;
	v6 =	vadd.s32 $0x6, v10;
	v18 =	vld.idx.msk [tilespmem:v2+s25+$0x0], $0xffff  }
0x9c: {  	v7 =	vadd.s32 $0x10, v7;
	v11 =	vshll.u32 v11, v1;
	v10 =	vbroadcast v6, $0x0;
	v6 =	vld.idx.msk [tilespmem:v3+s25+$0x0], $0xffff  }
0x9d: {  	s30 =	simm.s32 $0xA500;
	s0 =	simm.s32 $0xB;
	v2 =	vbroadcast v9, $0x0;
	v9 =	vadd.s32 $0x7, v11;
	v11 =	vadd.s32 $0x1, v12;
	v12 =	vld.idx.msk [tilespmem:v4+s25+$0x0], $0xffff  }
0x9e: {  	v7 =	vshrl.u32 v7, $0x3;
	v14 =	vmov s0;
	v27 =	vld [tilespmem:s30+$0xFFFFFF00]  }
0x9f: {  	v7 =	vshll.u32 v7, v1;
	v14 =	vadd.s32 $0x10, v14;
	v31 =	vld [tilespmem:s30+$0xFFFFFF10]  }
0xa0: {  	v7 =	vadd.s32 $0x3, v7;
	v14 =	vshrl.u32 v14, $0x3;
	v35 =	vld [tilespmem:s30+$0xFFFFFF20]  }
0xa1: {  	v7 =	vbroadcast v7, $0x0;
	v14 =	vshll.u32 v14, v1;
	v37 =	vld [tilespmem:s30+$0xFFFFFF30]  }
0xa2: {  	v14 =	vadd.s32 $0x3, v14;
	v38 =	vld [tilespmem:s30+$0xFFFFFF40]  }
0xa3: {  	v14 =	vbroadcast v14, $0x0;
	v5 =	vshrl.u32 v5, $0x3;
	v39 =	vld [tilespmem:s30+$0xFFFFFF50]  }
0xa4: {  	v15 =	vshrl.u32 v15, $0x3;
	v17 =	vshrl.u32 v17, $0x3;
	v5 =	vshll.u32 v5, v1;
	v63 =	vld [tilespmem:s30+$0xFFFFFF60]  }
0xa5: {  	v5 =	vadd.s32 $0x4, v5;
	v8 =	vadd.s32 $0x2, v8;
	v3 =	vshll.u32 v15, v1;
	v42 =	vld [tilespmem:s30+$0xFFFFFF70]  }
0xa6: {  	s6 =	simm.s32 $0xF;
	v4 =	vbroadcast v9, $0x0;
	v9 =	vshll.u32 v17, v1;
	v11 =	vbroadcast v11, $0x0;
	v15 =	vld.idx.msk [tilespmem:v16+s25+$0x0], $0xffff  }
0xa7: {  	v3 =	vadd.s32 $0x5, v3;
	v16 =	vld.idx.msk [tilespmem:v7+s25+$0x0], $0xffff;
	v7 =	vbroadcast v8, $0x0;
	v8 =	vmov s6;
	s6 =	simm.s32 $0x12  }
0xa8: {  	v44 =	vld [tilespmem:s30+$0xFFFFFF90];
	v20 =	vbroadcast v3, $0x0;
	v3 =	vadd.s32 $0x6, v9;
	v21 =	vmov s6;
	s6 =	simm.s32 $0x15  }
0xa9: {  	v46 =	vld [tilespmem:s30+$0xFFFFFFB0];
	v8 =	vadd.s32 $0x10, v8;
	v25 =	vmov s6;
	s6 =	simm.s32 $0x19;
	v21 =	vadd.s32 $0x10, v21  }
0xaa: {  	v13 =	vld.idx.msk [tilespmem:v13+s25+$0x0], $0xffff;
	v29 =	vmov s6;
	v27 =	vmul.f32 v27, v18;
	v18 =	vmul.f32 v31, v18  }
0xab: {  	v19 =	vld.idx.msk [tilespmem:v10+s25+$0x0], $0xffff;
	v25 =	vadd.s32 $0x10, v25;
	v41 =	vmul.f32 v35, v12;
	v12 =	vmul.f32 v37, v12  }
0xac: {  	s6 =	simm.s32 $0x1D;
	v21 =	vshrl.u32 v21, $0x3;
	v17 =	vld.idx.msk [tilespmem:v2+s25+$0x0], $0xffff;
	v2 =	vbroadcast v5, $0x0;
	v5 =	vshrl.u32 v8, $0x3  }
0xad: {  	v34 =	vmov s6;
	v40 =	vadd.s32 $0x10, v29;
	v25 =	vshrl.u32 v25, $0x3;
	v10 =	vld.idx.msk [tilespmem:v4+s25+$0x0], $0xffff  }
0xae: {  	v5 =	vshll.u32 v5, v1;
	v4 =	vbroadcast v3, $0x0;
	[tilespmem:s30+$0xFFFFFF10] =	vst v18;
	v18 =	vld [tilespmem:s30+$0xFFFFFF80];
	v43 =	vmul.f32 v38, v15  }
0xaf: {  	s1 =	simm.s32 $0x18;
	v34 =	vadd.s32 $0x10, v34;
	[tilespmem:s30+$0xFFFFFF30] =	vst v12;
	v12 =	vmul.f32 v39, v15;
	v15 =	vld [tilespmem:s30+$0xFFFFFFA0];
	v45 =	vmul.f32 v63, v16  }
0xb0: {  	v54 =	vshll.u32 v25, v1;
	v3 =	vadd.s32 $0x7, v5;
	v5 =	vld.idx.msk [tilespmem:v20+s25+$0x0], $0xffff;
	v20 =	vmov s1;
	s1 =	simm.s32 $0x1B  }
0xb1: {  	v47 =	vld [tilespmem:s30+$0xFFFFFFD0];
	v51 =	vshrl.u32 v34, $0x3;
	v32 =	vmov s1;
	[tilespmem:s30+$0xFFFFFF50] =	vst v12;
	v12 =	vmul.f32 v42, v16  }
0xb2: {  	v9 =	vld.idx.msk [tilespmem:v11+s25+$0x0], $0xffff;
	v11 =	vbroadcast v3, $0x0;
	v20 =	vadd.s32 $0x10, v20;
	v32 =	vadd.s32 $0x10, v32  }
0xb3: {  	s15 =	simm.s32 $0x10;
	v16 =	vld [tilespmem:s30+$0xFFFFFFC0];
	v20 =	vshrl.u32 v20, $0x3;
	[tilespmem:s30+$0xFFFFFF70] =	vst v12;
	v12 =	vmul.f32 v44, v13;
	v49 =	vshrl.u32 v32, $0x3  }
0xb4: {  	v20 =	vshll.u32 v20, v1;
	v3 =	vld.idx.msk [tilespmem:v2+s25+$0x0], $0xffff;
	v2 =	vmov s15;
	v18 =	vmul.f32 v18, v13  }
0xb5: {  	v8 =	vld.idx.msk [tilespmem:v7+s25+$0x0], $0xffff;
	s15 =	simm.s32 $0x13;
	v15 =	vmul.f32 v15, v17;
	v57 =	vshll.u32 v49, v1;
	v20 =	vbroadcast v20, $0x0  }
0xb6: {  	v7 =	vld.idx.msk [tilespmem:v14+s25+$0x0], $0xffff;
	v14 =	vadd.s32 $0x10, v2;
	v22 =	vmov s15;
	s15 =	simm.s32 $0x16;
	[tilespmem:s30+$0xFFFFFF90] =	vst v12;
	v12 =	vmul.f32 v46, v17  }
0xb7: {  	s2 =	simm.s32 $0x11;
	v26 =	vmov s15;
	s15 =	simm.s32 $0x1A;
	v14 =	vshrl.u32 v14, $0x3;
	v22 =	vadd.s32 $0x10, v22  }
0xb8: {  	[tilespmem:s30+$0xFFFFFFA0] =	vst v15;
	v15 =	vmul.f32 v16, v19;
	v2 =	vld.idx.msk [tilespmem:v11+s25+$0x0], $0xffff;
	v11 =	vmov s2;
	v30 =	vmov s15  }
0xb9: {  	v23 =	vld [tilespmem:s30+$0xF0];
	[tilespmem:s30+$0xFFFFFF00] =	vst v27;
	s2 =	simm.s32 $0x14;
	v26 =	vadd.s32 $0x10, v26;
	v14 =	vshll.u32 v14, v1;
	v22 =	vshrl.u32 v22, $0x3  }
0xba: {  	v13 =	vld [tilespmem:s30+$0xFFFFFFE0];
	s15 =	simm.s32 $0x1E;
	[tilespmem:s30+$0xFFFFFFB0] =	vst v12;
	v12 =	vmul.f32 v47, v19;
	v19 =	vshll.u32 v21, v1;
	v24 =	vmov s2  }
0xbb: {  	[tilespmem:s30+$0xFFFFFF20] =	vst v41;
	v17 =	vld [tilespmem:s30+$0x0];
	v36 =	vmov s15;
	v11 =	vadd.s32 $0x10, v11;
	v30 =	vadd.s32 $0x10, v30  }
0xbc: {  	[tilespmem:s30+$0xFFFFFF80] =	vst v18;
	v18 =	vld [tilespmem:s30+$0xFFFFFFF0];
	s2 =	simm.s32 $0x17;
	v26 =	vshrl.u32 v26, $0x3;
	v53 =	vbroadcast v14, $0x0;
	v21 =	vshll.u32 v22, v1  }
0xbd: {  	[tilespmem:s30+$0xFFFFFF40] =	vst v43;
	v16 =	vld [tilespmem:s30+$0x10];
	v19 =	vadd.s32 $0x2, v19;
	v28 =	vmov s2;
	v24 =	vadd.s32 $0x10, v24  }
0xbe: {  	v59 =	vld [tilespmem:s30+$0x70];
	[tilespmem:s30+$0xFFFFFF60] =	vst v45;
	v36 =	vadd.s32 $0x10, v36;
	v11 =	vshrl.u32 v11, $0x3;
	v48 =	vshrl.u32 v30, $0x3  }
0xbf: {  	[tilespmem:s30+$0xFFFFFFC0] =	vst v15;
	v15 =	vld [tilespmem:s30+$0x30];
	s2 =	simm.s32 $0x1C;
	v13 =	vmul.f32 v13, v10;
	v55 =	vshll.u32 v26, v1;
	v19 =	vbroadcast v19, $0x0  }
0xc0: {  	v14 =	vld [tilespmem:s30+$0x20];
	[tilespmem:s30+$0xFFFFFFD0] =	vst v12;
	v33 =	vmov s2;
	v24 =	vshrl.u32 v24, $0x3;
	v12 =	vmul.f32 v17, v6  }
0xc1: {  	v52 =	vshrl.u32 v36, $0x3;
	v11 =	vshll.u32 v11, v1;
	v17 =	vld [tilespmem:s30+$0x50];
	v10 =	vmul.f32 v18, v10;
	[tilespmem:s30+$0xFFFFFFE0] =	vst v13  }
0xc2: {  	v25 =	vadd.s32 $0x6, v55;
	v33 =	vadd.s32 $0x10, v33;
	v18 =	vld [tilespmem:s30+$0x40];
	v6 =	vmul.f32 v16, v6;
	[tilespmem:s30+$0x0] =	vst v12  }
0xc3: {  	v22 =	vshll.u32 v24, v1;
	v16 =	vshll.u32 v48, v1;
	v23 =	vmul.f32 v23, v2;
	[tilespmem:s30+$0xFFFFFFF0] =	vst v10;
	v10 =	vld [tilespmem:s30+$0x60]  }
0xc4: {  	v4 =	vld.idx.msk [tilespmem:v4+s25+$0x0], $0xffff;
	v13 =	vshll.u32 v51, v1;
	v11 =	vadd.s32 $0x1, v11;
	[tilespmem:s30+$0x10] =	vst v6;
	v6 =	vmul.f32 v15, v9  }
0xc5: {  	v24 =	vadd.s32 $0x5, v54;
	v50 =	vshrl.u32 v33, $0x3;
	v58 =	vmul.f32 v14, v9;
	v9 =	vld [tilespmem:s30+$0x80];
	[tilespmem:s30+$0xF0] =	vst v23  }
0xc6: {  	[tilespmem:s30+$0x30] =	vst v6;
	v6 =	vmul.f32 v17, v8;
	v17 =	vbroadcast v11, $0x0;
	v11 =	vadd.s32 $0x3, v21;
	v21 =	vld [tilespmem:s30+$0xB0]  }
0xc7: {  	v12 =	vshll.u32 v52, v1;
	v14 =	vshll.u32 v50, v1;
	[tilespmem:s30+$0x20] =	vst v58;
	v15 =	vmul.f32 v18, v8;
	v18 =	vld [tilespmem:s30+$0x90]  }
0xc8: {  	v23 =	vadd.s32 $0x10, v28;
	v28 =	vshrl.u32 v40, $0x3;
	v8 =	vld [tilespmem:s30+$0xA0];
	[tilespmem:s30+$0x50] =	vst v6;
	v10 =	vmul.f32 v10, v7  }
0xc9: {  	v23 =	vshrl.u32 v23, $0x3;
	v6 =	vmul.f32 v59, v7;
	[tilespmem:s30+$0x40] =	vst v15;
	v15 =	vadd.s32 $0x4, v22;
	v22 =	vld [tilespmem:s30+$0xC0]  }
0xca: {  	v60 =	vld [tilespmem:s30+$0xD0];
	v56 =	vshll.u32 v28, v1;
	v7 =	vbroadcast v11, $0x0;
	[tilespmem:s30+$0x60] =	vst v10;
	v10 =	vmul.f32 v9, v3  }
0xcb: {  	v23 =	vshll.u32 v23, v1;
	v11 =	vbroadcast v15, $0x0;
	[tilespmem:s30+$0x70] =	vst v6;
	v6 =	vld [tilespmem:s30+$0xE0];
	v63 =	vmul.f32 v21, v5  }
0xcc: {  	v62 =	vadd.s32 $0x1, v56;
	v15 =	vbroadcast v24, $0x0;
	v9 =	vld.idx.msk [tilespmem:v53+s25+$0x0], $0xffff;
	v61 =	vmul.f32 v18, v3;
	[tilespmem:s30+$0x80] =	vst v10  }
0xcd: {  	v23 =	vadd.s32 $0x7, v23;
	v8 =	vmul.f32 v8, v5;
	v18 =	vbroadcast v25, $0x0;
	v3 =	vld.idx.msk [tilespmem:v20+s25+$0x0], $0xffff;
	[tilespmem:s30+$0xB0] =	vst v63  }
0xce: {  	v5 =	vbroadcast v23, $0x0;
	v20 =	vadd.s32 $0x2, v16;
	v10 =	vld.idx.msk [tilespmem:v17+s25+$0x0], $0xffff;
	[tilespmem:s30+$0x90] =	vst v61;
	v16 =	vmul.f32 v22, v4  }
0xcf: {  	s0 =	simm.s32 $0x1F;
	s31 =	sadd.s32 $0x2A00, s31;
	s2 =	simm.s32 $0x20;
	v21 =	vadd.s32 $0x3, v57;
	[tilespmem:s30+$0xA0] =	vst v8;
	v8 =	vld.idx.msk [tilespmem:v19+s25+$0x0], $0xffff;
	v19 =	vbroadcast v62, $0x0;
	v4 =	vmul.f32 v60, v4  }
.LBB2_5:
0xd0: {  	p0 =	slt.u32 s2, $0x70;
	v17 =	vld.idx.msk [tilespmem:v7+s25+$0x0], $0xffff;
	v7 =	vbroadcast v20, $0x0;
	v20 =	vmov s0;
	[tilespmem:s30+$0xC0] =	vst v16;
	v2 =	vmul.f32 v6, v2  }
0xd1: {  	v6 =	vbroadcast v21, $0x0;
	v16 =	vld.idx.msk [tilespmem:v11+s25+$0x0], $0xffff;
	v11 =	vadd.s32 $0x4, v14;
	v14 =	vadd.s32 $0x10, v20;
	[tilespmem:s30+$0xD0] =	vst v4  }
0xd2: {  	v15 =	vld.idx.msk [tilespmem:v15+s25+$0x0], $0xffff;
	v4 =	vbroadcast v11, $0x0;
	v11 =	vadd.s32 $0x5, v13;
	v13 =	vshrl.u32 v14, $0x3;
	[tilespmem:s30+$0xE0] =	vst v2  }
0xd3: {  	v14 =	vld.idx.msk [tilespmem:v18+s25+$0x0], $0xffff;
	v2 =	vbroadcast v11, $0x0;
	v11 =	vadd.s32 $0x6, v12;
	v12 =	vshll.u32 v13, v1  }
0xd4: {  	v13 =	vld.idx.msk [tilespmem:v5+s25+$0x0], $0xffff;
	v18 =	vbroadcast v11, $0x0;
	v5 =	vadd.s32 $0x7, v12  }
0xd5: {  	v12 =	vld.idx.msk [tilespmem:v19+s25+$0x0], $0xffff;
	v19 =	vbroadcast v5, $0x0  }
0xd6: {  	v11 =	vld.idx.msk [tilespmem:v7+s25+$0x0], $0xffff  }
0xd7: {  	v7 =	vld.idx.msk [tilespmem:v6+s25+$0x0], $0xffff  }
0xd8: {  	v6 =	vld.idx.msk [tilespmem:v4+s25+$0x0], $0xffff  }
0xd9: {  	v5 =	vld.idx.msk [tilespmem:v2+s25+$0x0], $0xffff  }
0xda: {  	s0 =	sadd.s32 $0x1, s2;
	s1 =	sadd.s32 $0x8, s2;
	v2 =	vmov s2;
	v4 =	vld.idx.msk [tilespmem:v18+s25+$0x0], $0xffff  }
0xdb: {  	s15 =	sadd.s32 $0x2, s2;
	s6 =	sadd.s32 $0x3, s2;
	v20 =	vmov s1;
	s30 =	sadd.s32 $0x200, s30;
	v18 =	vadd.s32 $0x10, v2;
	v2 =	vld.idx.msk [tilespmem:v19+s25+$0x0], $0xffff  }
0xdc: {  	v21 =	vmov s15;
	v22 =	vmov s6;
	s1 =	sadd.s32 $0x5, s2;
	s6 =	sadd.s32 $0x6, s2;
	v19 =	vmov s0;
	s0 =	sadd.s32 $0x4, s2;
	v23 =	vld [tilespmem:s30+$0xF0]  }
0xdd: {  	v25 =	vmov s1;
	v26 =	vmov s6;
	s1 =	sadd.s32 $0x9, s2;
	s6 =	sadd.s32 $0xA, s2;
	v24 =	vmov s0;
	s0 =	sadd.s32 $0x7, s2;
	v27 =	vld [tilespmem:s30+$0xFFFFFF00]  }
0xde: {  	v29 =	vmov s1;
	v30 =	vmov s6;
	s1 =	sadd.s32 $0xC, s2;
	s6 =	sadd.s32 $0xD, s2;
	v28 =	vmov s0;
	s0 =	sadd.s32 $0xB, s2;
	v31 =	vld [tilespmem:s30+$0xFFFFFF10]  }
0xdf: {  	v33 =	vmov s1;
	v34 =	vmov s6;
	v32 =	vmov s0;
	s0 =	sadd.s32 $0xE, s2;
	v35 =	vld [tilespmem:s30+$0xFFFFFF20]  }
0xe0: {  	v20 =	vadd.s32 $0x10, v20;
	v18 =	vshrl.u32 v18, $0x3;
	v36 =	vmov s0;
	v37 =	vld [tilespmem:s30+$0xFFFFFF30]  }
0xe1: {  	v21 =	vadd.s32 $0x10, v21;
	v19 =	vadd.s32 $0x10, v19;
	v38 =	vld [tilespmem:s30+$0xFFFFFF40];
	v23 =	vmul.f32 v23, v2  }
0xe2: {  	v22 =	vadd.s32 $0x10, v22;
	v24 =	vadd.s32 $0x10, v24;
	v27 =	vmul.f32 v27, v9;
	v39 =	vld [tilespmem:s30+$0xFFFFFF50]  }
0xe3: {  	v25 =	vadd.s32 $0x10, v25;
	v26 =	vadd.s32 $0x10, v26;
	v9 =	vmul.f32 v31, v9;
	v31 =	vld [tilespmem:s30+$0xFFFFFF60];
	[tilespmem:s30+$0xF0] =	vst v23  }
0xe4: {  	v23 =	vadd.s32 $0x10, v28;
	v28 =	vadd.s32 $0x10, v29;
	[tilespmem:s30+$0xFFFFFF00] =	vst v27;
	v27 =	vmul.f32 v35, v10;
	v29 =	vld [tilespmem:s30+$0xFFFFFF70]  }
0xe5: {  	v30 =	vadd.s32 $0x10, v30;
	v32 =	vadd.s32 $0x10, v32;
	[tilespmem:s30+$0xFFFFFF10] =	vst v9;
	v9 =	vmul.f32 v37, v10;
	v10 =	vld [tilespmem:s30+$0xFFFFFF80]  }
0xe6: {  	v33 =	vadd.s32 $0x10, v33;
	v34 =	vadd.s32 $0x10, v34;
	[tilespmem:s30+$0xFFFFFF20] =	vst v27;
	v27 =	vmul.f32 v38, v8;
	v35 =	vld [tilespmem:s30+$0xFFFFFF90]  }
0xe7: {  	v18 =	vshll.u32 v18, v1;
	v36 =	vadd.s32 $0x10, v36;
	[tilespmem:s30+$0xFFFFFF30] =	vst v9;
	v8 =	vmul.f32 v39, v8;
	v9 =	vld [tilespmem:s30+$0xFFFFFFA0]  }
0xe8: {  	v20 =	vshrl.u32 v20, $0x3;
	v19 =	vshrl.u32 v19, $0x3;
	[tilespmem:s30+$0xFFFFFF40] =	vst v27;
	v27 =	vmul.f32 v31, v17;
	v31 =	vld [tilespmem:s30+$0xFFFFFFB0]  }
0xe9: {  	v21 =	vshrl.u32 v21, $0x3;
	v22 =	vshrl.u32 v22, $0x3;
	[tilespmem:s30+$0xFFFFFF50] =	vst v8;
	v8 =	vmul.f32 v29, v17;
	v17 =	vld [tilespmem:s30+$0xFFFFFFC0]  }
0xea: {  	v25 =	vshrl.u32 v25, $0x3;
	v24 =	vshrl.u32 v24, $0x3;
	[tilespmem:s30+$0xFFFFFF60] =	vst v27;
	v10 =	vmul.f32 v10, v16;
	v27 =	vld [tilespmem:s30+$0xFFFFFFD0]  }
0xeb: {  	v26 =	vshrl.u32 v26, $0x3;
	v23 =	vshrl.u32 v23, $0x3;
	[tilespmem:s30+$0xFFFFFF70] =	vst v8;
	v8 =	vmul.f32 v35, v16;
	v16 =	vld [tilespmem:s30+$0xFFFFFFE0]  }
0xec: {  	v28 =	vshrl.u32 v28, $0x3;
	v29 =	vshrl.u32 v30, $0x3;
	[tilespmem:s30+$0xFFFFFF80] =	vst v10;
	v9 =	vmul.f32 v9, v15;
	v10 =	vld [tilespmem:s30+$0xFFFFFFF0]  }
0xed: {  	v30 =	vshrl.u32 v32, $0x3;
	v32 =	vshrl.u32 v33, $0x3;
	[tilespmem:s30+$0xFFFFFF90] =	vst v8;
	v8 =	vmul.f32 v31, v15;
	v15 =	vld [tilespmem:s30+$0x0]  }
0xee: {  	v33 =	vshrl.u32 v36, $0x3;
	v31 =	vshrl.u32 v34, $0x3;
	[tilespmem:s30+$0xFFFFFFA0] =	vst v9;
	v9 =	vmul.f32 v17, v14;
	v17 =	vld [tilespmem:s30+$0x10]  }
0xef: {  	v20 =	vshll.u32 v20, v1;
	v18 =	vbroadcast v18, $0x0;
	[tilespmem:s30+$0xFFFFFFB0] =	vst v8;
	v8 =	vmul.f32 v27, v14;
	v14 =	vld [tilespmem:s30+$0x20]  }
0xf0: {  	v21 =	vshll.u32 v21, v1;
	v19 =	vshll.u32 v19, v1;
	[tilespmem:s30+$0xFFFFFFC0] =	vst v9;
	v9 =	vmul.f32 v16, v13;
	v16 =	vld [tilespmem:s30+$0x30]  }
0xf1: {  	v22 =	vshll.u32 v22, v1;
	v24 =	vshll.u32 v24, v1;
	[tilespmem:s30+$0xFFFFFFD0] =	vst v8;
	v8 =	vmul.f32 v10, v13;
	v10 =	vld [tilespmem:s30+$0x40]  }
0xf2: {  	v25 =	vshll.u32 v25, v1;
	v26 =	vshll.u32 v26, v1;
	[tilespmem:s30+$0xFFFFFFE0] =	vst v9;
	v9 =	vmul.f32 v15, v3;
	v15 =	vld [tilespmem:s30+$0x50]  }
0xf3: {  	v23 =	vshll.u32 v23, v1;
	v27 =	vshll.u32 v28, v1;
	[tilespmem:s30+$0xFFFFFFF0] =	vst v8;
	v3 =	vmul.f32 v17, v3;
	v8 =	vld [tilespmem:s30+$0x60]  }
0xf4: {  	v28 =	vshll.u32 v30, v1;
	v17 =	vshll.u32 v29, v1;
	[tilespmem:s30+$0x0] =	vst v9;
	v9 =	vmul.f32 v14, v12;
	v29 =	vld [tilespmem:s30+$0x70]  }
0xf5: {  	v13 =	vshll.u32 v31, v1;
	v14 =	vshll.u32 v32, v1;
	[tilespmem:s30+$0x10] =	vst v3;
	v3 =	vmul.f32 v16, v12;
	v16 =	vld [tilespmem:s30+$0x80]  }
0xf6: {  	v20 =	vbroadcast v20, $0x0;
	v12 =	vshll.u32 v33, v1;
	[tilespmem:s30+$0x20] =	vst v9;
	v9 =	vmul.f32 v10, v11;
	v10 =	vld [tilespmem:s30+$0x90]  }
0xf7: {  	v21 =	vadd.s32 $0x2, v21;
	v19 =	vadd.s32 $0x1, v19;
	[tilespmem:s30+$0x30] =	vst v3;
	v3 =	vmul.f32 v15, v11;
	v30 =	vld [tilespmem:s30+$0xA0]  }
0xf8: {  	v19 =	vbroadcast v19, $0x0;
	v11 =	vadd.s32 $0x3, v22;
	[tilespmem:s30+$0x40] =	vst v9;
	v8 =	vmul.f32 v8, v7;
	v22 =	vld [tilespmem:s30+$0xB0]  }
0xf9: {  	v21 =	vbroadcast v21, $0x0;
	v9 =	vadd.s32 $0x4, v24;
	[tilespmem:s30+$0x50] =	vst v3;
	v3 =	vmul.f32 v29, v7;
	v24 =	vld [tilespmem:s30+$0xC0]  }
0xfa: {  	v15 =	vadd.s32 $0x5, v25;
	v7 =	vbroadcast v11, $0x0;
	[tilespmem:s30+$0x60] =	vst v8;
	v8 =	vmul.f32 v16, v6;
	v25 =	vld [tilespmem:s30+$0xD0]  }
.Ltmp1:
0xfb: {  	v11 =	vbroadcast v9, $0x0;
	v16 =	vadd.s32 $0x6, v26;
	[tilespmem:s30+$0x70] =	vst v3;
	v10 =	vmul.f32 v10, v6;
	v6 =	vld [tilespmem:s30+$0xE0];
	(pc) =	sbr.rel @p0 .LBB2_5-.Ltmp1, $4  }
0xfc: {  	v23 =	vadd.s32 $0x7, v23;
	v15 =	vbroadcast v15, $0x0;
	v9 =	vld.idx.msk [tilespmem:v18+s25+$0x0], $0xffff;
	[tilespmem:s30+$0x80] =	vst v8;
	v8 =	vmul.f32 v30, v5  }
0xfd: {  	v26 =	vadd.s32 $0x1, v27;
	v18 =	vbroadcast v16, $0x0;
	v3 =	vld.idx.msk [tilespmem:v20+s25+$0x0], $0xffff;
	[tilespmem:s30+$0x90] =	vst v10;
	v22 =	vmul.f32 v22, v5  }
0xfe: {  	v5 =	vbroadcast v23, $0x0;
	v20 =	vadd.s32 $0x2, v17;
	v10 =	vld.idx.msk [tilespmem:v19+s25+$0x0], $0xffff;
	[tilespmem:s30+$0xA0] =	vst v8;
	v16 =	vmul.f32 v24, v4  }
0xff: {  	s0 =	sadd.s32 $0xF, s2;
	s2 =	sadd.s32 $0x10, s2;
	v19 =	vbroadcast v26, $0x0;
	v8 =	vld.idx.msk [tilespmem:v21+s25+$0x0], $0xffff;
	v21 =	vadd.s32 $0x3, v28;
	[tilespmem:s30+$0xB0] =	vst v22;
	v4 =	vmul.f32 v25, v4  }
0x100: {  	_ =	sdelay $0x3  }
0x101: {  	v7 =	vld.idx.msk [tilespmem:v7+s25+$0x0], $0xffff  }
0x102: {  	v11 =	vld.idx.msk [tilespmem:v11+s25+$0x0], $0xffff  }
0x103: {  	v15 =	vld.idx.msk [tilespmem:v15+s25+$0x0], $0xffff  }
0x104: {  	v18 =	vld.idx.msk [tilespmem:v18+s25+$0x0], $0xffff  }
0x105: {  	v5 =	vld.idx.msk [tilespmem:v5+s25+$0x0], $0xffff  }
0x106: {  	s2 =	sadd.s32 $0x200, s30;
	v19 =	vld.idx.msk [tilespmem:v19+s25+$0x0], $0xffff  }
0x107: {  	v22 =	vld [tilespmem:s2+$0xF0]  }
0x108: {  	v23 =	vld [tilespmem:s2+$0xFFFFFF00]  }
0x109: {  	v24 =	vld [tilespmem:s2+$0xFFFFFF10]  }
0x10a: {  	v25 =	vld [tilespmem:s2+$0xFFFFFF20]  }
0x10b: {  	v29 =	vld [tilespmem:s2+$0xFFFFFF30]  }
0x10c: {  	v30 =	vld [tilespmem:s2+$0xFFFFFF40]  }
0x10d: {  	v32 =	vld [tilespmem:s2+$0xFFFFFF50]  }
0x10e: {  	v34 =	vld [tilespmem:s2+$0xFFFFFF60]  }
0x10f: {  	v35 =	vld [tilespmem:s2+$0xFFFFFF70]  }
0x110: {  	v2 =	vmul.f32 v6, v2;
	v36 =	vld [tilespmem:s2+$0xFFFFFF80]  }
0x111: {  	[tilespmem:s30+$0xC0] =	vst v16;
	v37 =	vld [tilespmem:s2+$0xFFFFFF90]  }
0x112: {  	v28 =	vmov s0;
	v39 =	vld [tilespmem:s2+$0xFFFFFFA0];
	[tilespmem:s30+$0xE0] =	vst v2;
	v2 =	vmul.f32 v23, v9  }
0x113: {  	v17 =	vbroadcast v20, $0x0;
	v20 =	vadd.s32 $0x10, v28;
	[tilespmem:s30+$0xD0] =	vst v4;
	v40 =	vld [tilespmem:s2+$0xFFFFFFB0];
	v33 =	vmul.f32 v24, v9  }
0x114: {  	v42 =	vld [tilespmem:s2+$0xFFFFFFC0];
	v20 =	vshrl.u32 v20, $0x3;
	v6 =	vmul.f32 v29, v10;
	[tilespmem:s2+$0xFFFFFF00] =	vst v2  }
0x115: {  	v43 =	vld [tilespmem:s2+$0xFFFFFFD0];
	v20 =	vshll.u32 v20, v1;
	v2 =	vmul.f32 v25, v10;
	[tilespmem:s2+$0xFFFFFF10] =	vst v33  }
0x116: {  	v44 =	vld [tilespmem:s2+$0xFFFFFFE0];
	v20 =	vadd.s32 $0x7, v20;
	v38 =	vmul.f32 v32, v8;
	[tilespmem:s2+$0xFFFFFF30] =	vst v6  }
0x117: {  	v45 =	vld [tilespmem:s2+$0xFFFFFFF0];
	v20 =	vbroadcast v20, $0x0;
	[tilespmem:s2+$0xFFFFFF20] =	vst v2;
	v2 =	vmul.f32 v30, v8  }
0x118: {  	v47 =	vld [tilespmem:s2+$0x0];
	v41 =	vmul.f32 v35, v7;
	[tilespmem:s2+$0xFFFFFF50] =	vst v38  }
0x119: {  	v48 =	vld [tilespmem:s2+$0x10];
	[tilespmem:s2+$0xFFFFFF40] =	vst v2;
	v2 =	vmul.f32 v34, v7  }
0x11a: {  	v50 =	vld [tilespmem:s2+$0x20];
	v4 =	vmul.f32 v37, v11;
	[tilespmem:s2+$0xFFFFFF70] =	vst v41  }
0x11b: {  	v51 =	vld [tilespmem:s2+$0x30];
	[tilespmem:s2+$0xFFFFFF60] =	vst v2;
	v2 =	vmul.f32 v36, v11  }
0x11c: {  	v53 =	vld [tilespmem:s2+$0x40];
	v46 =	vmul.f32 v40, v15;
	[tilespmem:s2+$0xFFFFFF90] =	vst v4  }
0x11d: {  	v20 =	vld.idx.msk [tilespmem:v20+s25+$0x0], $0xffff;
	[tilespmem:s2+$0xFFFFFF80] =	vst v2;
	v2 =	vmul.f32 v39, v15  }
0x11e: {  	v21 =	vbroadcast v21, $0x0;
	v54 =	vld [tilespmem:s2+$0x50];
	v49 =	vmul.f32 v43, v18;
	[tilespmem:s2+$0xFFFFFFB0] =	vst v46  }
0x11f: {  	v14 =	vadd.s32 $0x4, v14;
	v55 =	vld [tilespmem:s2+$0x60];
	[tilespmem:s2+$0xFFFFFFA0] =	vst v2;
	v2 =	vmul.f32 v42, v18  }
0x120: {  	v14 =	vbroadcast v14, $0x0;
	v56 =	vld [tilespmem:s2+$0x70];
	v52 =	vmul.f32 v45, v5;
	[tilespmem:s2+$0xFFFFFFD0] =	vst v49  }
0x121: {  	v13 =	vadd.s32 $0x5, v13;
	v57 =	vld [tilespmem:s2+$0x80];
	[tilespmem:s2+$0xFFFFFFC0] =	vst v2;
	v2 =	vmul.f32 v44, v5  }
0x122: {  	v13 =	vbroadcast v13, $0x0;
	v17 =	vld.idx.msk [tilespmem:v17+s25+$0x0], $0xffff;
	[tilespmem:s2+$0xFFFFFFF0] =	vst v52;
	v31 =	vmul.f32 v22, v20  }
0x123: {  	v12 =	vadd.s32 $0x6, v12;
	v58 =	vld [tilespmem:s2+$0x90];
	[tilespmem:s2+$0xFFFFFFE0] =	vst v2;
	v2 =	vmul.f32 v47, v3  }
0x124: {  	v12 =	vbroadcast v12, $0x0;
	v21 =	vld.idx.msk [tilespmem:v21+s25+$0x0], $0xffff;
	[tilespmem:s2+$0xF0] =	vst v31;
	v3 =	vmul.f32 v48, v3  }
0x125: {  	v59 =	vld [tilespmem:s2+$0xA0];
	[tilespmem:s2+$0x0] =	vst v2;
	v2 =	vmul.f32 v50, v19  }
0x126: {  	v14 =	vld.idx.msk [tilespmem:v14+s25+$0x0], $0xffff;
	[tilespmem:s2+$0x10] =	vst v3;
	v3 =	vmul.f32 v51, v19  }
0x127: {  	v60 =	vld [tilespmem:s2+$0xB0];
	[tilespmem:s2+$0x20] =	vst v2;
	v2 =	vmul.f32 v53, v17  }
0x128: {  	v13 =	vld.idx.msk [tilespmem:v13+s25+$0x0], $0xffff;
	[tilespmem:s2+$0x30] =	vst v3;
	v3 =	vmul.f32 v54, v17  }
0x129: {  	v61 =	vld [tilespmem:s2+$0xC0];
	[tilespmem:s2+$0x40] =	vst v2;
	v2 =	vmul.f32 v55, v21  }
0x12a: {  	v12 =	vld.idx.msk [tilespmem:v12+s25+$0x0], $0xffff;
	[tilespmem:s2+$0x50] =	vst v3;
	v3 =	vmul.f32 v56, v21  }
0x12b: {  	v62 =	vld [tilespmem:s2+$0xD0];
	[tilespmem:s2+$0x60] =	vst v2;
	v2 =	vmul.f32 v57, v14  }
0x12c: {  	v63 =	vld [tilespmem:s2+$0xE0];
	[tilespmem:s2+$0x70] =	vst v3;
	v3 =	vmul.f32 v58, v14  }
0x12d: {  	[tilespmem:s2+$0x80] =	vst v2;
	v2 =	vmul.f32 v59, v13  }
0x12e: {  	[tilespmem:s2+$0x90] =	vst v3;
	v3 =	vmul.f32 v60, v13  }
0x12f: {  	[tilespmem:s2+$0xA0] =	vst v2;
	v2 =	vmul.f32 v61, v12  }
0x130: {  	[tilespmem:s2+$0xB0] =	vst v3;
	v3 =	vmul.f32 v62, v12  }
0x131: {  	s29 =	sadd.s32 $0x1, s29;
	[tilespmem:s2+$0xC0] =	vst v2;
	v2 =	vmul.f32 v63, v20  }
0x132: {  	p0 =	sne.s32 s29, $0x52;
	[tilespmem:s2+$0xD0] =	vst v3  }
.Ltmp2:
0x133: {  	[tilespmem:s2+$0xE0] =	vst v2;
	(pc) =	sbr.rel @p0 .LBB2_4-.Ltmp2, $4  }
0x134: {  	[spmem:s3] =	stream.indirect.scatter.add.f32 [tilespmem:s22], [sflag:$0x2], $0x20, s31, s21, $0xb8;
	[tilespmem:$0x17C90] =	vst v63  }
0x135: {  	_ =	swait.ge [sflag:s14], $0x1000  }
0x136: {  	[sflag:s14] =	ssyncset.done $0x0  }
0x137: {  	[sflag:s14] =	ssyncadd.s32 $0xFFFFF000  }
0x138: {  	[hbm4b:s11+s5] =	stream.linear.scatter [tilespmem:s23], [sflag:$0x2], $0x2800, $0x38;
	[tilespmem:$0x17C90] =	vst v63  }
0x139: {  	_ =	swait.ge [sflag:s14], $0x2800  }
0x13a: {  	s26 =	sadd.s32 $0x1, s26;
	[sflag:s14] =	ssyncset.done $0x0  }
0x13b: {  	p0 =	sne.s32 s26, s13;
	[sflag:s14] =	ssyncadd.s32 $0xFFFFD800  }
.Ltmp3:
0x13c: {  	[bflag:$0x0] =	sbarrier.arrive $0xFFFF;
	(pc) =	sbr.rel @p0 .LBB2_1-.Ltmp3, $4  }
0x13d: {  	[hbm:s12], [sflag:s18] =	dma.local [spmem:s19], $0xA00  }
0x13e: {  	_ =	swait.ge [sflag:s14], $0xA00  }
0x13f: {  	[sflag:s14] =	ssyncset.done $0x0  }
0x140: {  	[sflag:s14] =	ssyncadd.s32 $0xFFFFF600  }
0x141: {  	_ =	sfence.sel $0x180000  }
0x142: {  	[bflag:$0x0] =	sbarrier.arrive $0xFFFF  }
0x143: {  	_ =	strace $0x90000047  }
0x144: {  	s0 =	stileid.u32;
	[bflag:$0x2] =	sbarrier.arrive $0xFFFF  }
0x145: {  	p0 =	sne.s32 s0, $0x0;
	s0 =	rddreg [dreg:$0x4]  }
0x146: {  	s0 =	sadd.s32 @!p0 $0x100000, s0  }
0x147: {  	[sflag:s0] =	ssyncadd.tile.s32 @!p0 $0x1;
	_ =	shalt  }
.Lfunc_end2:
_tile_overlayer_lowered:
.L_overlay_start_2:
0x148: {  	(tag) =	ssettag $0x2  }
0x149: {  	s0 =	rddreg [dreg:$0x0];
	s2 =	stileid.u32  }
0x14a: {  	s1 =	rddreg [dreg:$0x1];
	p0 =	sne.s32 s2, $0x0  }
0x14b: {  	s3 =	rddreg [dreg:$0x2];
	[bflag:$0x3] =	sbarrier.arrive $0xFFFF;
	s2 =	simm.s32 @!p0 $0x1C02  }
0x14c: {  	[timem:s3], [sflag:s2] =	dma.local @!p0 [hbm:s0], s1  }
0x14d: {  	s0 =	simm.s32 @!p0 $0x2  }
0x14e: {  	_ =	swait.ge @!p0 [sflag:s0], s1  }
0x14f: {  	s1 =	ssub.s32 @!p0 $0x0, s1;
	[sflag:s0] =	ssyncset.done @!p0 $0x0  }
0x150: {  	[sflag:s0] =	ssyncadd.s32 @!p0 s1  }
0x151: {  	[bflag:$0x3] =	sbarrier.arrive $0xFFFF  }
0x152: {  	_ =	shalt  }

</sc_bundles>
